<compile_context>
chip_gen: v7x
topology: tpu7x:2x2x1
jax: 0.10.2.dev20260603
libtpu: 0.0.44.dev20260713+nightly
codegen_flags: <defaults>
</compile_context>

<pallas_src>
import functools

import jax
import jax.numpy as jnp
from jax import lax
from jax.experimental import pallas as pl
from jax.experimental.pallas import tpu as pltpu
from jax.experimental.pallas import tpu_sc as plsc


def _tc1_body(x_ref, win_ref, bin_ref, ww_ref, bw_ref, h_ref, wa_ref):
    x = x_ref[...]
    h = jnp.maximum(
        jnp.dot(x, win_ref[...], preferred_element_type=jnp.float32) + bin_ref[...],
        0.0,
    )
    h_ref[...] = h
    wa_ref[...] = jnp.tanh(
        jnp.dot(h, ww_ref[...], preferred_element_type=jnp.float32) + bw_ref[...]
    )


def _tc1(x, W_in, b_in, W_write, b_write, block_b):
    B, IN = x.shape
    H = W_in.shape[1]
    NQ = W_write.shape[1]
    grid = (B // block_b,)
    return pl.pallas_call(
        _tc1_body,
        grid=grid,
        in_specs=[
            pl.BlockSpec((block_b, IN), lambda i: (i, 0)),
            pl.BlockSpec((IN, H), lambda i: (0, 0)),
            pl.BlockSpec((1, H), lambda i: (0, 0)),
            pl.BlockSpec((H, NQ), lambda i: (0, 0)),
            pl.BlockSpec((1, NQ), lambda i: (0, 0)),
        ],
        out_specs=[
            pl.BlockSpec((block_b, H), lambda i: (i, 0)),
            pl.BlockSpec((block_b, NQ), lambda i: (i, 0)),
        ],
        out_shape=[
            jax.ShapeDtypeStruct((B, H), jnp.float32),
            jax.ShapeDtypeStruct((B, NQ), jnp.float32),
        ],
    )(x, W_in, b_in, W_write, b_write)


_COS_PI_COEF = (
    1.0000000000e+00, -4.9348022005e+00, 4.0587121264e+00, -1.3352627333e+00,
    2.3533063036e-01, -2.5806263764e-02, 1.9285058936e-03, -1.0356905004e-04,
    3.7195286630e-06,
)


def _cos_pi(t):
    u = t * t
    acc = jnp.full_like(u, _COS_PI_COEF[-1])
    for c in _COS_PI_COEF[-2::-1]:
        acc = acc * u + c
    return acc


def _tc2_body(h_ref, ra_ref, wr_ref, br_ref, w1_ref, b1_ref, w2_ref, b2t_ref,
              out_ref):
    H = h_ref.shape[1]
    w1a = w1_ref[:H, :]
    w1b = w1_ref[H:, :]
    wrb = jnp.dot(wr_ref[...], w1b, preferred_element_type=jnp.float32)
    bc = jnp.dot(br_ref[...], w1b, preferred_element_type=jnp.float32) + b1_ref[...]
    e = _cos_pi(ra_ref[...])
    h2 = jnp.maximum(
        jnp.dot(h_ref[...], w1a, preferred_element_type=jnp.float32)
        + jnp.dot(e, wrb, preferred_element_type=jnp.float32)
        + bc,
        0.0,
    )
    out_ref[...] = (
        lax.dot_general(w2_ref[...], h2, (((0,), (1,)), ((), ())),
                        preferred_element_type=jnp.float32)
        + b2t_ref[...]
    )


def _tc2(h, ra, W_read, b_read2, W1, b1, W2, b2t, block_b):
    B, H = h.shape
    NQ = ra.shape[1]
    OUT = W2.shape[1]
    grid = (B // block_b,)
    return pl.pallas_call(
        _tc2_body,
        grid=grid,
        in_specs=[
            pl.BlockSpec((block_b, H), lambda i: (i, 0)),
            pl.BlockSpec((block_b, NQ), lambda i: (i, 0)),
            pl.BlockSpec((NQ, H), lambda i: (0, 0)),
            pl.BlockSpec((1, H), lambda i: (0, 0)),
            pl.BlockSpec((2 * H, H), lambda i: (0, 0)),
            pl.BlockSpec((1, H), lambda i: (0, 0)),
            pl.BlockSpec((H, OUT), lambda i: (0, 0)),
            pl.BlockSpec((OUT, 1), lambda i: (0, 0)),
        ],
        out_specs=pl.BlockSpec((OUT, block_b), lambda i: (0, i)),
        out_shape=jax.ShapeDtypeStruct((OUT, B), jnp.float32),
    )(h, ra, W_read, b_read2, W1, b1, W2, b2t)


_SC_PARAMS = pltpu.CompilerParams(
    needs_layout_passes=False, use_tc_tiling_on_sc=False
)


def _sc_winners(idx, slots):
    B = idx.shape[0]
    info = plsc.get_sparse_core_info()
    NC, NS = 1, info.num_subcores
    chunk = B // (NC * NS)
    mesh = plsc.VectorSubcoreMesh(
        core_axis_name="c", subcore_axis_name="s", num_cores=NC
    )

    @functools.partial(
        pl.kernel,
        mesh=mesh,
        out_type=jax.ShapeDtypeStruct((B,), jnp.int32),
        scratch_types=[
            pltpu.VMEM((B,), jnp.int32),
            pltpu.VMEM((slots,), jnp.int32),
            pltpu.VMEM((chunk,), jnp.int32),
        ],
        compiler_params=_SC_PARAMS,
    )
    def k(idx_hbm, out_hbm, idx_v, owner_v, win_v):
        wid = lax.axis_index("s") * NC + lax.axis_index("c")
        pltpu.sync_copy(idx_hbm, idx_v)

        U = 8

        def scan_body(i, carry):
            for u in range(U):
                v = i * U + u
                iv = idx_v[pl.ds(v * 16, 16)]
                _, last = plsc.scan_count(iv)
                j = lax.iota(jnp.int32, 16) + v * 16
                plsc.store_scatter(owner_v, [iv], j, mask=last)
            return carry

        lax.fori_loop(0, B // 16 // U, scan_body, 0)

        base = wid * chunk

        def win_body(c, carry):
            iv = idx_v[pl.ds(base + c * 16, 16)]
            win_v[pl.ds(c * 16, 16)] = plsc.load_gather(owner_v, [iv])
            return carry

        lax.fori_loop(0, chunk // 16, win_body, 0)
        pltpu.sync_copy(win_v, out_hbm.at[pl.ds(base, chunk)])

    return k(idx)


def _sc_gather_rows(win, wa):
    B, NQ = wa.shape
    info = plsc.get_sparse_core_info()
    NC, NS = 1, info.num_subcores
    chunk = B // (NC * NS)
    n_sub = chunk // 128
    mesh = plsc.VectorSubcoreMesh(
        core_axis_name="c", subcore_axis_name="s", num_cores=NC
    )

    @functools.partial(
        pl.kernel,
        mesh=mesh,
        out_type=jax.ShapeDtypeStruct((B, NQ), jnp.float32),
        scratch_types=[
            pltpu.VMEM((chunk,), jnp.int32),
            pltpu.VMEM((chunk, NQ), jnp.float32),
            pltpu.SemaphoreType.DMA,
        ],
        compiler_params=_SC_PARAMS,
    )
    def k(win_hbm, wa_hbm, out_hbm, win_v, ra_v, sem):
        wid = lax.axis_index("s") * NC + lax.axis_index("c")
        base = wid * chunk
        pltpu.sync_copy(win_hbm.at[pl.ds(base, chunk)], win_v)
        cps = [
            pltpu.async_copy(
                wa_hbm.at[win_v.at[pl.ds(s * 128, 128)]],
                ra_v.at[pl.ds(s * 128, 128)],
                sem,
            )
            for s in range(n_sub)
        ]
        for c in cps:
            c.wait()
        pltpu.sync_copy(ra_v, out_hbm.at[pl.ds(base, chunk)])

    return k(win, wa)


def kernel(x_batch, memory_slot_indices_batch, mem_angles,
           W_in, b_in, W_write, b_write, W_read, b_read,
           W1, b1, W2, b2):
    H = W_in.shape[1]
    NQ = W_write.shape[1]
    OUT = W2.shape[1]
    slots = mem_angles.shape[0]

    win = _sc_winners(memory_slot_indices_batch, slots)
    h, wa = _tc1(x_batch, W_in, b_in.reshape(1, H), W_write,
                 b_write.reshape(1, NQ), block_b=1024)
    ra = _sc_gather_rows(win, wa)
    final_t = _tc2(h, ra, W_read, b_read.reshape(1, H), W1,
                   b1.reshape(1, H), W2, b2.reshape(OUT, 1), block_b=1024)
    return (final_t.T, h)

# --- scband reference (transcript-rebuilt; emitter-appended) ---
"""Pipeline reference for scband-hybrid-ctm-89678917141215 (READ-ONLY COPY).

The authoritative reference and input builder live on the scoring server;
editing this copy changes nothing except your own understanding.
"""

import jax, jax.numpy as jnp
import numpy as np

B = 16384
IN = 128
H = 128
OUT = 64
SLOTS = 100000
NQ = 8


def setup_inputs(seed: int = 0) -> dict:
    key = jax.random.key(seed)
    ks = jax.random.split(key, 16)
    s = 0.05
    inp = {
        "x_batch": jax.random.normal(ks[0], (B, IN), dtype=jnp.float32),
        "memory_slot_indices_batch": jax.random.randint(ks[1], (B,), 0, SLOTS, dtype=jnp.int32),
        # quantum memory: per-slot rotation angles (classical simulation of the qubit memory)
        "mem_angles": jax.random.normal(ks[2], (SLOTS, NQ), dtype=jnp.float32) * s,
        # input_layer
        "W_in": jax.random.normal(ks[3], (IN, H), dtype=jnp.float32) * s,
        "b_in": jnp.zeros((H,), dtype=jnp.float32),
        # write projection (hidden -> rotation angles)
        "W_write": jax.random.normal(ks[4], (H, NQ), dtype=jnp.float32) * s,
        "b_write": jnp.zeros((NQ,), dtype=jnp.float32),
        # read projection (expectation values -> hidden)
        "W_read": jax.random.normal(ks[5], (NQ, H), dtype=jnp.float32) * s,
        "b_read": jnp.zeros((H,), dtype=jnp.float32),
        # output_gate_and_transform
        "W1": jax.random.normal(ks[6], (2 * H, H), dtype=jnp.float32) * s,
        "b1": jnp.zeros((H,), dtype=jnp.float32),
        "W2": jax.random.normal(ks[7], (H, OUT), dtype=jnp.float32) * s,
        "b2": jnp.zeros((OUT,), dtype=jnp.float32),
    }
    return inp


def reference(x_batch, memory_slot_indices_batch, mem_angles,
              W_in, b_in, W_write, b_write, W_read, b_read,
              W1, b1, W2, b2):
    # input_layer + relu
    h = jax.nn.relu(x_batch @ W_in + b_in)
    # quantum memory write: hidden -> rotation angles, scatter-overwrite into slots
    write_angles = jnp.tanh(h @ W_write + b_write) * jnp.pi
    updated_mem = mem_angles.at[memory_slot_indices_batch].set(write_angles)
    # quantum memory read: gather slot angles, measure expectation values (cos of angles)
    read_angles = jnp.take(updated_mem, memory_slot_indices_batch, axis=0)
    expectations = jnp.cos(read_angles)
    memory_output = expectations @ W_read + b_read
    # combine and transform
    combined = jnp.concatenate([h, memory_output], axis=1)
    hidden2 = jax.nn.relu(combined @ W1 + b1)
    final_output = hidden2 @ W2 + b2
    return (final_output, h)

if __name__ == "__main__":
    import jax
    _d = setup_inputs()
    print(jax.jit(kernel)(*tuple(_d.values())))

</pallas_src>

<mosaic_0001>
#map = affine_map<(d0, d1) -> (0)>
#map1 = affine_map<(d0, d1) -> (0, 0)>
module attributes {stable_mosaic.version = 14 : i64} {
  func.func @k(%arg0: i32, %arg1: i32, %arg2: memref<16384xi32, #tpu.memory_space<hbm>>, %arg3: memref<16384x8xf32, #tpu.memory_space<hbm>>, %arg4: memref<16384x8xf32, #tpu.memory_space<hbm>>, %arg5: memref<1024xi32, #tpu.memory_space<vmem>>, %arg6: memref<1024x8xf32, #tpu.memory_space<vmem>>, %arg7: memref<!tpu.dma_semaphore, #tpu.memory_space<semaphore_mem>>) attributes {dimension_semantics = [#tpu.dimension_semantics<core_parallel>, #tpu.dimension_semantics<subcore_parallel>], iteration_bounds = array<i64: 1, 16>, scalar_prefetch = 0 : i64, scratch_operands = 3 : i64, tpu.core_type = #tpu.core_type<sc_vector_subcore>, window_params = [{transform_indices = #map}, {transform_indices = #map1}, {transform_indices = #map1}]} {
    %mul3A = arith.constant 1 : i32
    %mul3A_0 = arith.muli %arg1, %mul3A : i32
    %add3A = arith.addi %mul3A_0, %arg0 : i32
    %mul3A_1 = arith.constant 1024 : i32
    %mul3A_2 = arith.muli %add3A, %mul3A_1 : i32
    "tpu.region"() ({
      %run_scoped3A = tpu.sem_alloc : memref<!tpu.dma_semaphore, #tpu.memory_space<semaphore_mem>>
      %dma_start3A_129 = tpu.memref_slice %arg2[%mul3A_2] : memref<16384xi32, #tpu.memory_space<hbm>> -> memref<1024xi32, #tpu.memory_space<hbm>>
      %dma_start3A_130 = tpu.memref_slice %arg2[%mul3A_2] : memref<16384xi32, #tpu.memory_space<hbm>> -> memref<1024xi32, #tpu.memory_space<hbm>>
      tpu.enqueue_dma source(%dma_start3A_130 : memref<1024xi32, #tpu.memory_space<hbm>>) target(%arg5 : memref<1024xi32, #tpu.memory_space<vmem>>) target_semaphore(%run_scoped3A : memref<!tpu.dma_semaphore, #tpu.memory_space<semaphore_mem>>)
      %dma_wait3A_131 = tpu.memref_slice %arg2[%mul3A_2] : memref<16384xi32, #tpu.memory_space<hbm>> -> memref<1024xi32, #tpu.memory_space<hbm>>
      %dma_wait3A_132 = tpu.memref_slice %arg2[%mul3A_2] : memref<16384xi32, #tpu.memory_space<hbm>> -> memref<1024xi32, #tpu.memory_space<hbm>>
      tpu.wait_dma2 semaphore(%run_scoped3A : memref<!tpu.dma_semaphore, #tpu.memory_space<semaphore_mem>>) src(%dma_wait3A_132 : memref<1024xi32, #tpu.memory_space<hbm>>) dst(%arg5 : memref<1024xi32, #tpu.memory_space<vmem>>)
      tpu.yield
    }) : () -> ()
    %dma_start3A = arith.constant 0 : i32
    %dma_start3A_3 = arith.constant 0 : i32
    %dma_start3A_4 = tpu.memref_slice %arg6[%dma_start3A, %dma_start3A_3] : memref<1024x8xf32, #tpu.memory_space<vmem>> -> memref<128x8xf32, #tpu.memory_space<vmem>>
    %dma_start3A_5 = arith.constant 0 : i32
    %dma_start3A_6 = tpu.memref_slice %arg5[%dma_start3A_5] : memref<1024xi32, #tpu.memory_space<vmem>> -> memref<128xi32, #tpu.memory_space<vmem>>
    %dma_start3A_7 = arith.constant 0 : i32
    %dma_start3A_8 = arith.constant 0 : i32
    %dma_start3A_9 = tpu.memref_slice %arg3[%dma_start3A_7, %dma_start3A_8] : memref<16384x8xf32, #tpu.memory_space<hbm>> -> memref<16384x8xf32, #tpu.memory_space<hbm>>
    tpu.enqueue_indirect_dma source(%dma_start3A_9 : memref<16384x8xf32, #tpu.memory_space<hbm>>) target(%dma_start3A_4 : memref<128x8xf32, #tpu.memory_space<vmem>>) offsets(%dma_start3A_6 : memref<128xi32, #tpu.memory_space<vmem>>) semaphore(%arg7 : memref<!tpu.dma_semaphore, #tpu.memory_space<semaphore_mem>>)
    %dma_start3A_10 = arith.constant 128 : i32
    %dma_start3A_11 = arith.constant 0 : i32
    %dma_start3A_12 = tpu.memref_slice %arg6[%dma_start3A_10, %dma_start3A_11] : memref<1024x8xf32, #tpu.memory_space<vmem>> -> memref<128x8xf32, #tpu.memory_space<vmem>>
    %dma_start3A_13 = arith.constant 128 : i32
    %dma_start3A_14 = tpu.memref_slice %arg5[%dma_start3A_13] : memref<1024xi32, #tpu.memory_space<vmem>> -> memref<128xi32, #tpu.memory_space<vmem>>
    %dma_start3A_15 = arith.constant 0 : i32
    %dma_start3A_16 = arith.constant 0 : i32
    %dma_start3A_17 = tpu.memref_slice %arg3[%dma_start3A_15, %dma_start3A_16] : memref<16384x8xf32, #tpu.memory_space<hbm>> -> memref<16384x8xf32, #tpu.memory_space<hbm>>
    tpu.enqueue_indirect_dma source(%dma_start3A_17 : memref<16384x8xf32, #tpu.memory_space<hbm>>) target(%dma_start3A_12 : memref<128x8xf32, #tpu.memory_space<vmem>>) offsets(%dma_start3A_14 : memref<128xi32, #tpu.memory_space<vmem>>) semaphore(%arg7 : memref<!tpu.dma_semaphore, #tpu.memory_space<semaphore_mem>>)
    %dma_start3A_18 = arith.constant 256 : i32
    %dma_start3A_19 = arith.constant 0 : i32
    %dma_start3A_20 = tpu.memref_slice %arg6[%dma_start3A_18, %dma_start3A_19] : memref<1024x8xf32, #tpu.memory_space<vmem>> -> memref<128x8xf32, #tpu.memory_space<vmem>>
    %dma_start3A_21 = arith.constant 256 : i32
    %dma_start3A_22 = tpu.memref_slice %arg5[%dma_start3A_21] : memref<1024xi32, #tpu.memory_space<vmem>> -> memref<128xi32, #tpu.memory_space<vmem>>
    %dma_start3A_23 = arith.constant 0 : i32
    %dma_start3A_24 = arith.constant 0 : i32
    %dma_start3A_25 = tpu.memref_slice %arg3[%dma_start3A_23, %dma_start3A_24] : memref<16384x8xf32, #tpu.memory_space<hbm>> -> memref<16384x8xf32, #tpu.memory_space<hbm>>
    tpu.enqueue_indirect_dma source(%dma_start3A_25 : memref<16384x8xf32, #tpu.memory_space<hbm>>) target(%dma_start3A_20 : memref<128x8xf32, #tpu.memory_space<vmem>>) offsets(%dma_start3A_22 : memref<128xi32, #tpu.memory_space<vmem>>) semaphore(%arg7 : memref<!tpu.dma_semaphore, #tpu.memory_space<semaphore_mem>>)
    %dma_start3A_26 = arith.constant 384 : i32
    %dma_start3A_27 = arith.constant 0 : i32
    %dma_start3A_28 = tpu.memref_slice %arg6[%dma_start3A_26, %dma_start3A_27] : memref<1024x8xf32, #tpu.memory_space<vmem>> -> memref<128x8xf32, #tpu.memory_space<vmem>>
    %dma_start3A_29 = arith.constant 384 : i32
    %dma_start3A_30 = tpu.memref_slice %arg5[%dma_start3A_29] : memref<1024xi32, #tpu.memory_space<vmem>> -> memref<128xi32, #tpu.memory_space<vmem>>
    %dma_start3A_31 = arith.constant 0 : i32
    %dma_start3A_32 = arith.constant 0 : i32
    %dma_start3A_33 = tpu.memref_slice %arg3[%dma_start3A_31, %dma_start3A_32] : memref<16384x8xf32, #tpu.memory_space<hbm>> -> memref<16384x8xf32, #tpu.memory_space<hbm>>
    tpu.enqueue_indirect_dma source(%dma_start3A_33 : memref<16384x8xf32, #tpu.memory_space<hbm>>) target(%dma_start3A_28 : memref<128x8xf32, #tpu.memory_space<vmem>>) offsets(%dma_start3A_30 : memref<128xi32, #tpu.memory_space<vmem>>) semaphore(%arg7 : memref<!tpu.dma_semaphore, #tpu.memory_space<semaphore_mem>>)
    %dma_start3A_34 = arith.constant 512 : i32
    %dma_start3A_35 = arith.constant 0 : i32
    %dma_start3A_36 = tpu.memref_slice %arg6[%dma_start3A_34, %dma_start3A_35] : memref<1024x8xf32, #tpu.memory_space<vmem>> -> memref<128x8xf32, #tpu.memory_space<vmem>>
    %dma_start3A_37 = arith.constant 512 : i32
    %dma_start3A_38 = tpu.memref_slice %arg5[%dma_start3A_37] : memref<1024xi32, #tpu.memory_space<vmem>> -> memref<128xi32, #tpu.memory_space<vmem>>
    %dma_start3A_39 = arith.constant 0 : i32
    %dma_start3A_40 = arith.constant 0 : i32
    %dma_start3A_41 = tpu.memref_slice %arg3[%dma_start3A_39, %dma_start3A_40] : memref<16384x8xf32, #tpu.memory_space<hbm>> -> memref<16384x8xf32, #tpu.memory_space<hbm>>
    tpu.enqueue_indirect_dma source(%dma_start3A_41 : memref<16384x8xf32, #tpu.memory_space<hbm>>) target(%dma_start3A_36 : memref<128x8xf32, #tpu.memory_space<vmem>>) offsets(%dma_start3A_38 : memref<128xi32, #tpu.memory_space<vmem>>) semaphore(%arg7 : memref<!tpu.dma_semaphore, #tpu.memory_space<semaphore_mem>>)
    %dma_start3A_42 = arith.constant 640 : i32
    %dma_start3A_43 = arith.constant 0 : i32
    %dma_start3A_44 = tpu.memref_slice %arg6[%dma_start3A_42, %dma_start3A_43] : memref<1024x8xf32, #tpu.memory_space<vmem>> -> memref<128x8xf32, #tpu.memory_space<vmem>>
    %dma_start3A_45 = arith.constant 640 : i32
    %dma_start3A_46 = tpu.memref_slice %arg5[%dma_start3A_45] : memref<1024xi32, #tpu.memory_space<vmem>> -> memref<128xi32, #tpu.memory_space<vmem>>
    %dma_start3A_47 = arith.constant 0 : i32
    %dma_start3A_48 = arith.constant 0 : i32
    %dma_start3A_49 = tpu.memref_slice %arg3[%dma_start3A_47, %dma_start3A_48] : memref<16384x8xf32, #tpu.memory_space<hbm>> -> memref<16384x8xf32, #tpu.memory_space<hbm>>
    tpu.enqueue_indirect_dma source(%dma_start3A_49 : memref<16384x8xf32, #tpu.memory_space<hbm>>) target(%dma_start3A_44 : memref<128x8xf32, #tpu.memory_space<vmem>>) offsets(%dma_start3A_46 : memref<128xi32, #tpu.memory_space<vmem>>) semaphore(%arg7 : memref<!tpu.dma_semaphore, #tpu.memory_space<semaphore_mem>>)
    %dma_start3A_50 = arith.constant 768 : i32
    %dma_start3A_51 = arith.constant 0 : i32
    %dma_start3A_52 = tpu.memref_slice %arg6[%dma_start3A_50, %dma_start3A_51] : memref<1024x8xf32, #tpu.memory_space<vmem>> -> memref<128x8xf32, #tpu.memory_space<vmem>>
    %dma_start3A_53 = arith.constant 768 : i32
    %dma_start3A_54 = tpu.memref_slice %arg5[%dma_start3A_53] : memref<1024xi32, #tpu.memory_space<vmem>> -> memref<128xi32, #tpu.memory_space<vmem>>
    %dma_start3A_55 = arith.constant 0 : i32
    %dma_start3A_56 = arith.constant 0 : i32
    %dma_start3A_57 = tpu.memref_slice %arg3[%dma_start3A_55, %dma_start3A_56] : memref<16384x8xf32, #tpu.memory_space<hbm>> -> memref<16384x8xf32, #tpu.memory_space<hbm>>
    tpu.enqueue_indirect_dma source(%dma_start3A_57 : memref<16384x8xf32, #tpu.memory_space<hbm>>) target(%dma_start3A_52 : memref<128x8xf32, #tpu.memory_space<vmem>>) offsets(%dma_start3A_54 : memref<128xi32, #tpu.memory_space<vmem>>) semaphore(%arg7 : memref<!tpu.dma_semaphore, #tpu.memory_space<semaphore_mem>>)
    %dma_start3A_58 = arith.constant 896 : i32
    %dma_start3A_59 = arith.constant 0 : i32
    %dma_start3A_60 = tpu.memref_slice %arg6[%dma_start3A_58, %dma_start3A_59] : memref<1024x8xf32, #tpu.memory_space<vmem>> -> memref<128x8xf32, #tpu.memory_space<vmem>>
    %dma_start3A_61 = arith.constant 896 : i32
    %dma_start3A_62 = tpu.memref_slice %arg5[%dma_start3A_61] : memref<1024xi32, #tpu.memory_space<vmem>> -> memref<128xi32, #tpu.memory_space<vmem>>
    %dma_start3A_63 = arith.constant 0 : i32
    %dma_start3A_64 = arith.constant 0 : i32
    %dma_start3A_65 = tpu.memref_slice %arg3[%dma_start3A_63, %dma_start3A_64] : memref<16384x8xf32, #tpu.memory_space<hbm>> -> memref<16384x8xf32, #tpu.memory_space<hbm>>
    tpu.enqueue_indirect_dma source(%dma_start3A_65 : memref<16384x8xf32, #tpu.memory_space<hbm>>) target(%dma_start3A_60 : memref<128x8xf32, #tpu.memory_space<vmem>>) offsets(%dma_start3A_62 : memref<128xi32, #tpu.memory_space<vmem>>) semaphore(%arg7 : memref<!tpu.dma_semaphore, #tpu.memory_space<semaphore_mem>>)
    %dma_wait3A = arith.constant 0 : i32
    %dma_wait3A_66 = arith.constant 0 : i32
    %dma_wait3A_67 = tpu.memref_slice %arg6[%dma_wait3A, %dma_wait3A_66] : memref<1024x8xf32, #tpu.memory_space<vmem>> -> memref<128x8xf32, #tpu.memory_space<vmem>>
    %dma_wait3A_68 = arith.constant 0 : i32
    %dma_wait3A_69 = tpu.memref_slice %arg5[%dma_wait3A_68] : memref<1024xi32, #tpu.memory_space<vmem>> -> memref<128xi32, #tpu.memory_space<vmem>>
    %dma_wait3A_70 = arith.constant 0 : i32
    %dma_wait3A_71 = arith.constant 0 : i32
    %dma_wait3A_72 = tpu.memref_slice %arg3[%dma_wait3A_70, %dma_wait3A_71] : memref<16384x8xf32, #tpu.memory_space<hbm>> -> memref<16384x8xf32, #tpu.memory_space<hbm>>
    tpu.wait_indirect_dma semaphore(%arg7 : memref<!tpu.dma_semaphore, #tpu.memory_space<semaphore_mem>>) src(%dma_wait3A_72 : memref<16384x8xf32, #tpu.memory_space<hbm>>) dst(%dma_wait3A_67 : memref<128x8xf32, #tpu.memory_space<vmem>>)
    %dma_wait3A_73 = arith.constant 128 : i32
    %dma_wait3A_74 = arith.constant 0 : i32
    %dma_wait3A_75 = tpu.memref_slice %arg6[%dma_wait3A_73, %dma_wait3A_74] : memref<1024x8xf32, #tpu.memory_space<vmem>> -> memref<128x8xf32, #tpu.memory_space<vmem>>
    %dma_wait3A_76 = arith.constant 128 : i32
    %dma_wait3A_77 = tpu.memref_slice %arg5[%dma_wait3A_76] : memref<1024xi32, #tpu.memory_space<vmem>> -> memref<128xi32, #tpu.memory_space<vmem>>
    %dma_wait3A_78 = arith.constant 0 : i32
    %dma_wait3A_79 = arith.constant 0 : i32
    %dma_wait3A_80 = tpu.memref_slice %arg3[%dma_wait3A_78, %dma_wait3A_79] : memref<16384x8xf32, #tpu.memory_space<hbm>> -> memref<16384x8xf32, #tpu.memory_space<hbm>>
    tpu.wait_indirect_dma semaphore(%arg7 : memref<!tpu.dma_semaphore, #tpu.memory_space<semaphore_mem>>) src(%dma_wait3A_80 : memref<16384x8xf32, #tpu.memory_space<hbm>>) dst(%dma_wait3A_75 : memref<128x8xf32, #tpu.memory_space<vmem>>)
    %dma_wait3A_81 = arith.constant 256 : i32
    %dma_wait3A_82 = arith.constant 0 : i32
    %dma_wait3A_83 = tpu.memref_slice %arg6[%dma_wait3A_81, %dma_wait3A_82] : memref<1024x8xf32, #tpu.memory_space<vmem>> -> memref<128x8xf32, #tpu.memory_space<vmem>>
    %dma_wait3A_84 = arith.constant 256 : i32
    %dma_wait3A_85 = tpu.memref_slice %arg5[%dma_wait3A_84] : memref<1024xi32, #tpu.memory_space<vmem>> -> memref<128xi32, #tpu.memory_space<vmem>>
    %dma_wait3A_86 = arith.constant 0 : i32
    %dma_wait3A_87 = arith.constant 0 : i32
    %dma_wait3A_88 = tpu.memref_slice %arg3[%dma_wait3A_86, %dma_wait3A_87] : memref<16384x8xf32, #tpu.memory_space<hbm>> -> memref<16384x8xf32, #tpu.memory_space<hbm>>
    tpu.wait_indirect_dma semaphore(%arg7 : memref<!tpu.dma_semaphore, #tpu.memory_space<semaphore_mem>>) src(%dma_wait3A_88 : memref<16384x8xf32, #tpu.memory_space<hbm>>) dst(%dma_wait3A_83 : memref<128x8xf32, #tpu.memory_space<vmem>>)
    %dma_wait3A_89 = arith.constant 384 : i32
    %dma_wait3A_90 = arith.constant 0 : i32
    %dma_wait3A_91 = tpu.memref_slice %arg6[%dma_wait3A_89, %dma_wait3A_90] : memref<1024x8xf32, #tpu.memory_space<vmem>> -> memref<128x8xf32, #tpu.memory_space<vmem>>
    %dma_wait3A_92 = arith.constant 384 : i32
    %dma_wait3A_93 = tpu.memref_slice %arg5[%dma_wait3A_92] : memref<1024xi32, #tpu.memory_space<vmem>> -> memref<128xi32, #tpu.memory_space<vmem>>
    %dma_wait3A_94 = arith.constant 0 : i32
    %dma_wait3A_95 = arith.constant 0 : i32
    %dma_wait3A_96 = tpu.memref_slice %arg3[%dma_wait3A_94, %dma_wait3A_95] : memref<16384x8xf32, #tpu.memory_space<hbm>> -> memref<16384x8xf32, #tpu.memory_space<hbm>>
    tpu.wait_indirect_dma semaphore(%arg7 : memref<!tpu.dma_semaphore, #tpu.memory_space<semaphore_mem>>) src(%dma_wait3A_96 : memref<16384x8xf32, #tpu.memory_space<hbm>>) dst(%dma_wait3A_91 : memref<128x8xf32, #tpu.memory_space<vmem>>)
    %dma_wait3A_97 = arith.constant 512 : i32
    %dma_wait3A_98 = arith.constant 0 : i32
    %dma_wait3A_99 = tpu.memref_slice %arg6[%dma_wait3A_97, %dma_wait3A_98] : memref<1024x8xf32, #tpu.memory_space<vmem>> -> memref<128x8xf32, #tpu.memory_space<vmem>>
    %dma_wait3A_100 = arith.constant 512 : i32
    %dma_wait3A_101 = tpu.memref_slice %arg5[%dma_wait3A_100] : memref<1024xi32, #tpu.memory_space<vmem>> -> memref<128xi32, #tpu.memory_space<vmem>>
    %dma_wait3A_102 = arith.constant 0 : i32
    %dma_wait3A_103 = arith.constant 0 : i32
    %dma_wait3A_104 = tpu.memref_slice %arg3[%dma_wait3A_102, %dma_wait3A_103] : memref<16384x8xf32, #tpu.memory_space<hbm>> -> memref<16384x8xf32, #tpu.memory_space<hbm>>
    tpu.wait_indirect_dma semaphore(%arg7 : memref<!tpu.dma_semaphore, #tpu.memory_space<semaphore_mem>>) src(%dma_wait3A_104 : memref<16384x8xf32, #tpu.memory_space<hbm>>) dst(%dma_wait3A_99 : memref<128x8xf32, #tpu.memory_space<vmem>>)
    %dma_wait3A_105 = arith.constant 640 : i32
    %dma_wait3A_106 = arith.constant 0 : i32
    %dma_wait3A_107 = tpu.memref_slice %arg6[%dma_wait3A_105, %dma_wait3A_106] : memref<1024x8xf32, #tpu.memory_space<vmem>> -> memref<128x8xf32, #tpu.memory_space<vmem>>
    %dma_wait3A_108 = arith.constant 640 : i32
    %dma_wait3A_109 = tpu.memref_slice %arg5[%dma_wait3A_108] : memref<1024xi32, #tpu.memory_space<vmem>> -> memref<128xi32, #tpu.memory_space<vmem>>
    %dma_wait3A_110 = arith.constant 0 : i32
    %dma_wait3A_111 = arith.constant 0 : i32
    %dma_wait3A_112 = tpu.memref_slice %arg3[%dma_wait3A_110, %dma_wait3A_111] : memref<16384x8xf32, #tpu.memory_space<hbm>> -> memref<16384x8xf32, #tpu.memory_space<hbm>>
    tpu.wait_indirect_dma semaphore(%arg7 : memref<!tpu.dma_semaphore, #tpu.memory_space<semaphore_mem>>) src(%dma_wait3A_112 : memref<16384x8xf32, #tpu.memory_space<hbm>>) dst(%dma_wait3A_107 : memref<128x8xf32, #tpu.memory_space<vmem>>)
    %dma_wait3A_113 = arith.constant 768 : i32
    %dma_wait3A_114 = arith.constant 0 : i32
    %dma_wait3A_115 = tpu.memref_slice %arg6[%dma_wait3A_113, %dma_wait3A_114] : memref<1024x8xf32, #tpu.memory_space<vmem>> -> memref<128x8xf32, #tpu.memory_space<vmem>>
    %dma_wait3A_116 = arith.constant 768 : i32
    %dma_wait3A_117 = tpu.memref_slice %arg5[%dma_wait3A_116] : memref<1024xi32, #tpu.memory_space<vmem>> -> memref<128xi32, #tpu.memory_space<vmem>>
    %dma_wait3A_118 = arith.constant 0 : i32
    %dma_wait3A_119 = arith.constant 0 : i32
    %dma_wait3A_120 = tpu.memref_slice %arg3[%dma_wait3A_118, %dma_wait3A_119] : memref<16384x8xf32, #tpu.memory_space<hbm>> -> memref<16384x8xf32, #tpu.memory_space<hbm>>
    tpu.wait_indirect_dma semaphore(%arg7 : memref<!tpu.dma_semaphore, #tpu.memory_space<semaphore_mem>>) src(%dma_wait3A_120 : memref<16384x8xf32, #tpu.memory_space<hbm>>) dst(%dma_wait3A_115 : memref<128x8xf32, #tpu.memory_space<vmem>>)
    %dma_wait3A_121 = arith.constant 896 : i32
    %dma_wait3A_122 = arith.constant 0 : i32
    %dma_wait3A_123 = tpu.memref_slice %arg6[%dma_wait3A_121, %dma_wait3A_122] : memref<1024x8xf32, #tpu.memory_space<vmem>> -> memref<128x8xf32, #tpu.memory_space<vmem>>
    %dma_wait3A_124 = arith.constant 896 : i32
    %dma_wait3A_125 = tpu.memref_slice %arg5[%dma_wait3A_124] : memref<1024xi32, #tpu.memory_space<vmem>> -> memref<128xi32, #tpu.memory_space<vmem>>
    %dma_wait3A_126 = arith.constant 0 : i32
    %dma_wait3A_127 = arith.constant 0 : i32
    %dma_wait3A_128 = tpu.memref_slice %arg3[%dma_wait3A_126, %dma_wait3A_127] : memref<16384x8xf32, #tpu.memory_space<hbm>> -> memref<16384x8xf32, #tpu.memory_space<hbm>>
    tpu.wait_indirect_dma semaphore(%arg7 : memref<!tpu.dma_semaphore, #tpu.memory_space<semaphore_mem>>) src(%dma_wait3A_128 : memref<16384x8xf32, #tpu.memory_space<hbm>>) dst(%dma_wait3A_123 : memref<128x8xf32, #tpu.memory_space<vmem>>)
    "tpu.region"() ({
      %run_scoped3A = tpu.sem_alloc : memref<!tpu.dma_semaphore, #tpu.memory_space<semaphore_mem>>
      %dma_start3A_129 = arith.constant 0 : i32
      %dma_start3A_130 = tpu.memref_slice %arg4[%mul3A_2, %dma_start3A_129] : memref<16384x8xf32, #tpu.memory_space<hbm>> -> memref<1024x8xf32, #tpu.memory_space<hbm>>
      %dma_start3A_131 = arith.constant 0 : i32
      %dma_start3A_132 = tpu.memref_slice %arg4[%mul3A_2, %dma_start3A_131] : memref<16384x8xf32, #tpu.memory_space<hbm>> -> memref<1024x8xf32, #tpu.memory_space<hbm>>
      tpu.enqueue_dma source(%arg6 : memref<1024x8xf32, #tpu.memory_space<vmem>>) target(%dma_start3A_132 : memref<1024x8xf32, #tpu.memory_space<hbm>>) target_semaphore(%run_scoped3A : memref<!tpu.dma_semaphore, #tpu.memory_space<semaphore_mem>>)
      %dma_wait3A_133 = arith.constant 0 : i32
      %dma_wait3A_134 = tpu.memref_slice %arg4[%mul3A_2, %dma_wait3A_133] : memref<16384x8xf32, #tpu.memory_space<hbm>> -> memref<1024x8xf32, #tpu.memory_space<hbm>>
      %dma_wait3A_135 = arith.constant 0 : i32
      %dma_wait3A_136 = tpu.memref_slice %arg4[%mul3A_2, %dma_wait3A_135] : memref<16384x8xf32, #tpu.memory_space<hbm>> -> memref<1024x8xf32, #tpu.memory_space<hbm>>
      tpu.wait_dma2 semaphore(%run_scoped3A : memref<!tpu.dma_semaphore, #tpu.memory_space<semaphore_mem>>) src(%arg6 : memref<1024x8xf32, #tpu.memory_space<vmem>>) dst(%dma_wait3A_136 : memref<1024x8xf32, #tpu.memory_space<hbm>>)
      tpu.yield
    }) : () -> ()
    return
  }
}

#map = affine_map<(d0, d1) -> (0)>
module attributes {stable_mosaic.version = 14 : i64} {
  func.func @k(%arg0: i32, %arg1: i32, %arg2: memref<16384xi32, #tpu.memory_space<hbm>>, %arg3: memref<16384xi32, #tpu.memory_space<hbm>>, %arg4: memref<16384xi32, #tpu.memory_space<vmem>>, %arg5: memref<100000xi32, #tpu.memory_space<vmem>>, %arg6: memref<1024xi32, #tpu.memory_space<vmem>>) attributes {dimension_semantics = [#tpu.dimension_semantics<core_parallel>, #tpu.dimension_semantics<subcore_parallel>], iteration_bounds = array<i64: 1, 16>, scalar_prefetch = 0 : i64, scratch_operands = 3 : i64, tpu.core_type = #tpu.core_type<sc_vector_subcore>, window_params = [{transform_indices = #map}, {transform_indices = #map}]} {
    %mul3A = arith.constant 1 : i32
    %mul3A_0 = arith.muli %arg1, %mul3A : i32
    %add3A = arith.addi %mul3A_0, %arg0 : i32
    "tpu.region"() ({
      %run_scoped3A = tpu.sem_alloc : memref<!tpu.dma_semaphore, #tpu.memory_space<semaphore_mem>>
      tpu.enqueue_dma source(%arg2 : memref<16384xi32, #tpu.memory_space<hbm>>) target(%arg4 : memref<16384xi32, #tpu.memory_space<vmem>>) target_semaphore(%run_scoped3A : memref<!tpu.dma_semaphore, #tpu.memory_space<semaphore_mem>>)
      tpu.wait_dma2 semaphore(%run_scoped3A : memref<!tpu.dma_semaphore, #tpu.memory_space<semaphore_mem>>) src(%arg2 : memref<16384xi32, #tpu.memory_space<hbm>>) dst(%arg4 : memref<16384xi32, #tpu.memory_space<vmem>>)
      tpu.yield
    }) : () -> ()
    %scan3A = arith.constant 0 : i32
    %scan3A_1 = arith.constant 0 : i32
    %scan3A_2 = arith.constant 128 : i32
    %scan3A_3 = arith.addi %scan3A_1, %scan3A_2 : i32
    %scan3A_4 = arith.constant 1 : i32
    scf.for %scan3A_14 = %scan3A_1 to %scan3A_3 step %scan3A_4  : i32 {
      %mul3A_15 = arith.constant 8 : i32
      %mul3A_16 = arith.muli %scan3A_14, %mul3A_15 : i32
      %add3A_17 = arith.constant 0 : i32
      %add3A_18 = arith.addi %mul3A_16, %add3A_17 : i32
      %mul3A_19 = arith.constant 16 : i32
      %mul3A_20 = arith.muli %add3A_18, %mul3A_19 : i32
      %get3A = arith.index_cast %mul3A_20 : i32 to index
      %get3A_21 = tpu.vector_load %arg4[%get3A] {strides = array<i32>} : memref<16384xi32, #tpu.memory_space<vmem>>, vector<16xi32>,
      %broadcast_in_dim3A = arith.constant true
      %broadcast_in_dim3A_22 = vector.broadcast %broadcast_in_dim3A : i1 to vector<16xi1>
      %unique3A, %unique3A_23 = tpu.scan_count mask(%broadcast_in_dim3A_22 : vector<16xi1>) value(%get3A_21 : vector<16xi32>) : vector<16xi1>, vector<16xi32>
      %iota3A = tpu.iota {dimensions = array<i32: 0>} : vector<16xi32>
      %mul3A_24 = arith.constant 16 : i32
      %mul3A_25 = arith.muli %add3A_18, %mul3A_24 : i32
      %add3A_26 = vector.broadcast %mul3A_25 : i32 to vector<16xi32>
      %add3A_27 = arith.addi %iota3A, %add3A_26 : vector<16xi32>
      tpu.vector_store_idx %arg5[%get3A_21], %add3A_27 masked %unique3A : memref<100000xi32, #tpu.memory_space<vmem>>[vector<16xi32>], vector<16xi32>, vector<16xi1>
      %mul3A_28 = arith.constant 8 : i32
      %mul3A_29 = arith.muli %scan3A_14, %mul3A_28 : i32
      %add3A_30 = arith.constant 1 : i32
      %add3A_31 = arith.addi %mul3A_29, %add3A_30 : i32
      %mul3A_32 = arith.constant 16 : i32
      %mul3A_33 = arith.muli %add3A_31, %mul3A_32 : i32
      %get3A_34 = arith.index_cast %mul3A_33 : i32 to index
      %get3A_35 = tpu.vector_load %arg4[%get3A_34] {strides = array<i32>} : memref<16384xi32, #tpu.memory_space<vmem>>, vector<16xi32>,
      %broadcast_in_dim3A_36 = arith.constant true
      %broadcast_in_dim3A_37 = vector.broadcast %broadcast_in_dim3A_36 : i1 to vector<16xi1>
      %unique3A_38, %unique3A_39 = tpu.scan_count mask(%broadcast_in_dim3A_37 : vector<16xi1>) value(%get3A_35 : vector<16xi32>) : vector<16xi1>, vector<16xi32>
      %iota3A_40 = tpu.iota {dimensions = array<i32: 0>} : vector<16xi32>
      %mul3A_41 = arith.constant 16 : i32
      %mul3A_42 = arith.muli %add3A_31, %mul3A_41 : i32
      %add3A_43 = vector.broadcast %mul3A_42 : i32 to vector<16xi32>
      %add3A_44 = arith.addi %iota3A_40, %add3A_43 : vector<16xi32>
      tpu.vector_store_idx %arg5[%get3A_35], %add3A_44 masked %unique3A_38 : memref<100000xi32, #tpu.memory_space<vmem>>[vector<16xi32>], vector<16xi32>, vector<16xi1>
      %mul3A_45 = arith.constant 8 : i32
      %mul3A_46 = arith.muli %scan3A_14, %mul3A_45 : i32
      %add3A_47 = arith.constant 2 : i32
      %add3A_48 = arith.addi %mul3A_46, %add3A_47 : i32
      %mul3A_49 = arith.constant 16 : i32
      %mul3A_50 = arith.muli %add3A_48, %mul3A_49 : i32
      %get3A_51 = arith.index_cast %mul3A_50 : i32 to index
      %get3A_52 = tpu.vector_load %arg4[%get3A_51] {strides = array<i32>} : memref<16384xi32, #tpu.memory_space<vmem>>, vector<16xi32>,
      %broadcast_in_dim3A_53 = arith.constant true
      %broadcast_in_dim3A_54 = vector.broadcast %broadcast_in_dim3A_53 : i1 to vector<16xi1>
      %unique3A_55, %unique3A_56 = tpu.scan_count mask(%broadcast_in_dim3A_54 : vector<16xi1>) value(%get3A_52 : vector<16xi32>) : vector<16xi1>, vector<16xi32>
      %iota3A_57 = tpu.iota {dimensions = array<i32: 0>} : vector<16xi32>
      %mul3A_58 = arith.constant 16 : i32
      %mul3A_59 = arith.muli %add3A_48, %mul3A_58 : i32
      %add3A_60 = vector.broadcast %mul3A_59 : i32 to vector<16xi32>
      %add3A_61 = arith.addi %iota3A_57, %add3A_60 : vector<16xi32>
      tpu.vector_store_idx %arg5[%get3A_52], %add3A_61 masked %unique3A_55 : memref<100000xi32, #tpu.memory_space<vmem>>[vector<16xi32>], vector<16xi32>, vector<16xi1>
      %mul3A_62 = arith.constant 8 : i32
      %mul3A_63 = arith.muli %scan3A_14, %mul3A_62 : i32
      %add3A_64 = arith.constant 3 : i32
      %add3A_65 = arith.addi %mul3A_63, %add3A_64 : i32
      %mul3A_66 = arith.constant 16 : i32
      %mul3A_67 = arith.muli %add3A_65, %mul3A_66 : i32
      %get3A_68 = arith.index_cast %mul3A_67 : i32 to index
      %get3A_69 = tpu.vector_load %arg4[%get3A_68] {strides = array<i32>} : memref<16384xi32, #tpu.memory_space<vmem>>, vector<16xi32>,
      %broadcast_in_dim3A_70 = arith.constant true
      %broadcast_in_dim3A_71 = vector.broadcast %broadcast_in_dim3A_70 : i1 to vector<16xi1>
      %unique3A_72, %unique3A_73 = tpu.scan_count mask(%broadcast_in_dim3A_71 : vector<16xi1>) value(%get3A_69 : vector<16xi32>) : vector<16xi1>, vector<16xi32>
      %iota3A_74 = tpu.iota {dimensions = array<i32: 0>} : vector<16xi32>
      %mul3A_75 = arith.constant 16 : i32
      %mul3A_76 = arith.muli %add3A_65, %mul3A_75 : i32
      %add3A_77 = vector.broadcast %mul3A_76 : i32 to vector<16xi32>
      %add3A_78 = arith.addi %iota3A_74, %add3A_77 : vector<16xi32>
      tpu.vector_store_idx %arg5[%get3A_69], %add3A_78 masked %unique3A_72 : memref<100000xi32, #tpu.memory_space<vmem>>[vector<16xi32>], vector<16xi32>, vector<16xi1>
      %mul3A_79 = arith.constant 8 : i32
      %mul3A_80 = arith.muli %scan3A_14, %mul3A_79 : i32
      %add3A_81 = arith.constant 4 : i32
      %add3A_82 = arith.addi %mul3A_80, %add3A_81 : i32
      %mul3A_83 = arith.constant 16 : i32
      %mul3A_84 = arith.muli %add3A_82, %mul3A_83 : i32
      %get3A_85 = arith.index_cast %mul3A_84 : i32 to index
      %get3A_86 = tpu.vector_load %arg4[%get3A_85] {strides = array<i32>} : memref<16384xi32, #tpu.memory_space<vmem>>, vector<16xi32>,
      %broadcast_in_dim3A_87 = arith.constant true
      %broadcast_in_dim3A_88 = vector.broadcast %broadcast_in_dim3A_87 : i1 to vector<16xi1>
      %unique3A_89, %unique3A_90 = tpu.scan_count mask(%broadcast_in_dim3A_88 : vector<16xi1>) value(%get3A_86 : vector<16xi32>) : vector<16xi1>, vector<16xi32>
      %iota3A_91 = tpu.iota {dimensions = array<i32: 0>} : vector<16xi32>
      %mul3A_92 = arith.constant 16 : i32
      %mul3A_93 = arith.muli %add3A_82, %mul3A_92 : i32
      %add3A_94 = vector.broadcast %mul3A_93 : i32 to vector<16xi32>
      %add3A_95 = arith.addi %iota3A_91, %add3A_94 : vector<16xi32>
      tpu.vector_store_idx %arg5[%get3A_86], %add3A_95 masked %unique3A_89 : memref<100000xi32, #tpu.memory_space<vmem>>[vector<16xi32>], vector<16xi32>, vector<16xi1>
      %mul3A_96 = arith.constant 8 : i32
      %mul3A_97 = arith.muli %scan3A_14, %mul3A_96 : i32
      %add3A_98 = arith.constant 5 : i32
      %add3A_99 = arith.addi %mul3A_97, %add3A_98 : i32
      %mul3A_100 = arith.constant 16 : i32
      %mul3A_101 = arith.muli %add3A_99, %mul3A_100 : i32
      %get3A_102 = arith.index_cast %mul3A_101 : i32 to index
      %get3A_103 = tpu.vector_load %arg4[%get3A_102] {strides = array<i32>} : memref<16384xi32, #tpu.memory_space<vmem>>, vector<16xi32>,
      %broadcast_in_dim3A_104 = arith.constant true
      %broadcast_in_dim3A_105 = vector.broadcast %broadcast_in_dim3A_104 : i1 to vector<16xi1>
      %unique3A_106, %unique3A_107 = tpu.scan_count mask(%broadcast_in_dim3A_105 : vector<16xi1>) value(%get3A_103 : vector<16xi32>) : vector<16xi1>, vector<16xi32>
      %iota3A_108 = tpu.iota {dimensions = array<i32: 0>} : vector<16xi32>
      %mul3A_109 = arith.constant 16 : i32
      %mul3A_110 = arith.muli %add3A_99, %mul3A_109 : i32
      %add3A_111 = vector.broadcast %mul3A_110 : i32 to vector<16xi32>
      %add3A_112 = arith.addi %iota3A_108, %add3A_111 : vector<16xi32>
      tpu.vector_store_idx %arg5[%get3A_103], %add3A_112 masked %unique3A_106 : memref<100000xi32, #tpu.memory_space<vmem>>[vector<16xi32>], vector<16xi32>, vector<16xi1>
      %mul3A_113 = arith.constant 8 : i32
      %mul3A_114 = arith.muli %scan3A_14, %mul3A_113 : i32
      %add3A_115 = arith.constant 6 : i32
      %add3A_116 = arith.addi %mul3A_114, %add3A_115 : i32
      %mul3A_117 = arith.constant 16 : i32
      %mul3A_118 = arith.muli %add3A_116, %mul3A_117 : i32
      %get3A_119 = arith.index_cast %mul3A_118 : i32 to index
      %get3A_120 = tpu.vector_load %arg4[%get3A_119] {strides = array<i32>} : memref<16384xi32, #tpu.memory_space<vmem>>, vector<16xi32>,
      %broadcast_in_dim3A_121 = arith.constant true
      %broadcast_in_dim3A_122 = vector.broadcast %broadcast_in_dim3A_121 : i1 to vector<16xi1>
      %unique3A_123, %unique3A_124 = tpu.scan_count mask(%broadcast_in_dim3A_122 : vector<16xi1>) value(%get3A_120 : vector<16xi32>) : vector<16xi1>, vector<16xi32>
      %iota3A_125 = tpu.iota {dimensions = array<i32: 0>} : vector<16xi32>
      %mul3A_126 = arith.constant 16 : i32
      %mul3A_127 = arith.muli %add3A_116, %mul3A_126 : i32
      %add3A_128 = vector.broadcast %mul3A_127 : i32 to vector<16xi32>
      %add3A_129 = arith.addi %iota3A_125, %add3A_128 : vector<16xi32>
      tpu.vector_store_idx %arg5[%get3A_120], %add3A_129 masked %unique3A_123 : memref<100000xi32, #tpu.memory_space<vmem>>[vector<16xi32>], vector<16xi32>, vector<16xi1>
      %mul3A_130 = arith.constant 8 : i32
      %mul3A_131 = arith.muli %scan3A_14, %mul3A_130 : i32
      %add3A_132 = arith.constant 7 : i32
      %add3A_133 = arith.addi %mul3A_131, %add3A_132 : i32
      %mul3A_134 = arith.constant 16 : i32
      %mul3A_135 = arith.muli %add3A_133, %mul3A_134 : i32
      %get3A_136 = arith.index_cast %mul3A_135 : i32 to index
      %get3A_137 = tpu.vector_load %arg4[%get3A_136] {strides = array<i32>} : memref<16384xi32, #tpu.memory_space<vmem>>, vector<16xi32>,
      %broadcast_in_dim3A_138 = arith.constant true
      %broadcast_in_dim3A_139 = vector.broadcast %broadcast_in_dim3A_138 : i1 to vector<16xi1>
      %unique3A_140, %unique3A_141 = tpu.scan_count mask(%broadcast_in_dim3A_139 : vector<16xi1>) value(%get3A_137 : vector<16xi32>) : vector<16xi1>, vector<16xi32>
      %iota3A_142 = tpu.iota {dimensions = array<i32: 0>} : vector<16xi32>
      %mul3A_143 = arith.constant 16 : i32
      %mul3A_144 = arith.muli %add3A_133, %mul3A_143 : i32
      %add3A_145 = vector.broadcast %mul3A_144 : i32 to vector<16xi32>
      %add3A_146 = arith.addi %iota3A_142, %add3A_145 : vector<16xi32>
      tpu.vector_store_idx %arg5[%get3A_137], %add3A_146 masked %unique3A_140 : memref<100000xi32, #tpu.memory_space<vmem>>[vector<16xi32>], vector<16xi32>, vector<16xi1>
    }
    %scan3A_5 = arith.constant 128 : i32
    %mul3A_6 = arith.constant 1024 : i32
    %mul3A_7 = arith.muli %add3A, %mul3A_6 : i32
    %scan3A_8 = arith.constant 0 : i32
    %scan3A_9 = arith.constant 0 : i32
    %scan3A_10 = arith.constant 64 : i32
    %scan3A_11 = arith.addi %scan3A_9, %scan3A_10 : i32
    %scan3A_12 = arith.constant 1 : i32
    scf.for %scan3A_14 = %scan3A_9 to %scan3A_11 step %scan3A_12  : i32 {
      %mul3A_15 = arith.constant 16 : i32
      %mul3A_16 = arith.muli %scan3A_14, %mul3A_15 : i32
      %add3A_17 = arith.addi %mul3A_7, %mul3A_16 : i32
      %get3A = arith.index_cast %add3A_17 : i32 to index
      %get3A_18 = tpu.vector_load %arg4[%get3A] {strides = array<i32>} : memref<16384xi32, #tpu.memory_space<vmem>>, vector<16xi32>,
      %gather3A = tpu.vector_load_idx %arg5[%get3A_18] : memref<100000xi32, #tpu.memory_space<vmem>>[vector<16xi32>], vector<16xi32>,
      %mul3A_19 = arith.constant 16 : i32
      %mul3A_20 = arith.muli %scan3A_14, %mul3A_19 : i32
      %swap3A = arith.index_cast %mul3A_20 : i32 to index
      %swap3A_21 = tpu.vector_load %arg6[%swap3A] {strides = array<i32>} : memref<1024xi32, #tpu.memory_space<vmem>>, vector<16xi32>,
      tpu.vector_store %arg6[%swap3A], %gather3A {strides = array<i32>} : memref<1024xi32, #tpu.memory_space<vmem>>, vector<16xi32>,
    }
    %scan3A_13 = arith.constant 64 : i32
    "tpu.region"() ({
      %run_scoped3A = tpu.sem_alloc : memref<!tpu.dma_semaphore, #tpu.memory_space<semaphore_mem>>
      %dma_start3A = tpu.memref_slice %arg3[%mul3A_7] : memref<16384xi32, #tpu.memory_space<hbm>> -> memref<1024xi32, #tpu.memory_space<hbm>>
      %dma_start3A_14 = tpu.memref_slice %arg3[%mul3A_7] : memref<16384xi32, #tpu.memory_space<hbm>> -> memref<1024xi32, #tpu.memory_space<hbm>>
      tpu.enqueue_dma source(%arg6 : memref<1024xi32, #tpu.memory_space<vmem>>) target(%dma_start3A_14 : memref<1024xi32, #tpu.memory_space<hbm>>) target_semaphore(%run_scoped3A : memref<!tpu.dma_semaphore, #tpu.memory_space<semaphore_mem>>)
      %dma_wait3A = tpu.memref_slice %arg3[%mul3A_7] : memref<16384xi32, #tpu.memory_space<hbm>> -> memref<1024xi32, #tpu.memory_space<hbm>>
      %dma_wait3A_15 = tpu.memref_slice %arg3[%mul3A_7] : memref<16384xi32, #tpu.memory_space<hbm>> -> memref<1024xi32, #tpu.memory_space<hbm>>
      tpu.wait_dma2 semaphore(%run_scoped3A : memref<!tpu.dma_semaphore, #tpu.memory_space<semaphore_mem>>) src(%arg6 : memref<1024xi32, #tpu.memory_space<vmem>>) dst(%dma_wait3A_15 : memref<1024xi32, #tpu.memory_space<hbm>>)
      tpu.yield
    }) : () -> ()
    return
  }
}

module attributes {stable_mosaic.version = 14 : i64} {
  func.func @_tc1_body(%arg0: i32, %arg1: memref<1024x128xf32, #tpu.memory_space<vmem>>, %arg2: memref<128x128xf32, #tpu.memory_space<vmem>>, %arg3: memref<1x128xf32, #tpu.memory_space<vmem>>, %arg4: memref<128x8xf32, #tpu.memory_space<vmem>>, %arg5: memref<1x8xf32, #tpu.memory_space<vmem>>, %arg6: memref<1024x128xf32, #tpu.memory_space<vmem>>, %arg7: memref<1024x8xf32, #tpu.memory_space<vmem>>) attributes {dimension_semantics = [#tpu.dimension_semantics<arbitrary>], iteration_bounds = array<i64: 16>, scalar_prefetch = 0 : i64, scratch_operands = 0 : i64, tpu.core_type = #tpu.core_type<tc>, window_params = [{transform_indices = @transform_0, window_bounds = array<i64: 1024, 128>}, {pipeline_mode = #tpu.pipeline_mode<synchronous>, transform_indices = @transform_1, window_bounds = array<i64: 128, 128>}, {pipeline_mode = #tpu.pipeline_mode<synchronous>, transform_indices = @transform_2, window_bounds = array<i64: 1, 128>}, {pipeline_mode = #tpu.pipeline_mode<synchronous>, transform_indices = @transform_3, window_bounds = array<i64: 128, 8>}, {pipeline_mode = #tpu.pipeline_mode<synchronous>, transform_indices = @transform_4, window_bounds = array<i64: 1, 8>}, {transform_indices = @transform_5, window_bounds = array<i64: 1024, 128>}, {transform_indices = @transform_6, window_bounds = array<i64: 1024, 8>}]} {
    %get3A = arith.constant 0 : index
    %get3A_0 = arith.constant 0 : index
    %get3A_1 = vector.load %arg1[%get3A, %get3A_0] : memref<1024x128xf32, #tpu.memory_space<vmem>>, vector<1024x128xf32>
    %get3A_2 = arith.constant 0 : index
    %get3A_3 = arith.constant 0 : index
    %get3A_4 = vector.load %arg2[%get3A_2, %get3A_3] : memref<128x128xf32, #tpu.memory_space<vmem>>, vector<128x128xf32>
    %dot_general3A = arith.constant dense<0.000000e+00> : vector<1024x128xf32>
    %dot_general3A_5 = tpu.matmul %get3A_1, %get3A_4, %dot_general3A {dimension_numbers = #tpu.dot_dimension_numbers<[1], [0], [0], [1], [0, 0, 1, 1], [], []>, transpose_lhs_hint = false} : vector<1024x128xf32>, vector<128x128xf32>, vector<1024x128xf32> -> vector<1024x128xf32>
    %get3A_6 = arith.constant 0 : index
    %get3A_7 = arith.constant 0 : index
    %get3A_8 = vector.load %arg3[%get3A_6, %get3A_7] : memref<1x128xf32, #tpu.memory_space<vmem>>, vector<1x128xf32>
    %add3A = vector.broadcast %get3A_8 : vector<1x128xf32> to vector<1024x128xf32>
    %add3A_9 = arith.addf %dot_general3A_5, %add3A : vector<1024x128xf32>
    %max3A = arith.constant 0.000000e+00 : f32
    %max3A_10 = vector.broadcast %max3A : f32 to vector<1024x128xf32>
    %max3A_11 = arith.maximumf %add3A_9, %max3A_10 : vector<1024x128xf32>
    %swap3A = arith.constant 0 : index
    %swap3A_12 = arith.constant 0 : index
    %swap3A_13 = vector.load %arg6[%swap3A, %swap3A_12] : memref<1024x128xf32, #tpu.memory_space<vmem>>, vector<1024x128xf32>
    tpu.vector_store %arg6[%swap3A, %swap3A_12], %max3A_11 {strides = array<i32>} : memref<1024x128xf32, #tpu.memory_space<vmem>>, vector<1024x128xf32>,
    %get3A_14 = arith.constant 0 : index
    %get3A_15 = arith.constant 0 : index
    %get3A_16 = vector.load %arg4[%get3A_14, %get3A_15] : memref<128x8xf32, #tpu.memory_space<vmem>>, vector<128x8xf32>
    %dot_general3A_17 = arith.constant dense<0.000000e+00> : vector<1024x8xf32>
    %dot_general3A_18 = tpu.matmul %max3A_11, %get3A_16, %dot_general3A_17 {dimension_numbers = #tpu.dot_dimension_numbers<[1], [0], [0], [1], [0, 0, 1, 1], [], []>, transpose_lhs_hint = false} : vector<1024x128xf32>, vector<128x8xf32>, vector<1024x8xf32> -> vector<1024x8xf32>
    %get3A_19 = arith.constant 0 : index
    %get3A_20 = arith.constant 0 : index
    %get3A_21 = vector.load %arg5[%get3A_19, %get3A_20] : memref<1x8xf32, #tpu.memory_space<vmem>>, vector<1x8xf32>
    %add3A_22 = vector.broadcast %get3A_21 : vector<1x8xf32> to vector<1024x8xf32>
    %add3A_23 = arith.addf %dot_general3A_18, %add3A_22 : vector<1024x8xf32>
    %tanh3A = math.tanh %add3A_23 : vector<1024x8xf32>
    %swap3A_24 = arith.constant 0 : index
    %swap3A_25 = arith.constant 0 : index
    %swap3A_26 = vector.load %arg7[%swap3A_24, %swap3A_25] : memref<1024x8xf32, #tpu.memory_space<vmem>>, vector<1024x8xf32>
    tpu.vector_store %arg7[%swap3A_24, %swap3A_25], %tanh3A {strides = array<i32>} : memref<1024x8xf32, #tpu.memory_space<vmem>>, vector<1024x8xf32>,
    return
  }
  func.func @transform_0(%arg0: i32) -> (i32, i32) {
    %c0_i32 = arith.constant 0 : i32
    %c0_i32_0 = arith.constant 0 : i32
    return %arg0, %c0_i32 : i32, i32
  }
  func.func @transform_1(%arg0: i32) -> (i32, i32) {
    %c0_i32 = arith.constant 0 : i32
    %c0_i32_0 = arith.constant 0 : i32
    %c0_i32_1 = arith.constant 0 : i32
    return %c0_i32, %c0_i32_0 : i32, i32
  }
  func.func @transform_2(%arg0: i32) -> (i32, i32) {
    %c0_i32 = arith.constant 0 : i32
    %c0_i32_0 = arith.constant 0 : i32
    %c0_i32_1 = arith.constant 0 : i32
    return %c0_i32, %c0_i32_0 : i32, i32
  }
  func.func @transform_3(%arg0: i32) -> (i32, i32) {
    %c0_i32 = arith.constant 0 : i32
    %c0_i32_0 = arith.constant 0 : i32
    %c0_i32_1 = arith.constant 0 : i32
    return %c0_i32, %c0_i32_0 : i32, i32
  }
  func.func @transform_4(%arg0: i32) -> (i32, i32) {
    %c0_i32 = arith.constant 0 : i32
    %c0_i32_0 = arith.constant 0 : i32
    %c0_i32_1 = arith.constant 0 : i32
    return %c0_i32, %c0_i32_0 : i32, i32
  }
  func.func @transform_5(%arg0: i32) -> (i32, i32) {
    %c0_i32 = arith.constant 0 : i32
    %c0_i32_0 = arith.constant 0 : i32
    return %arg0, %c0_i32 : i32, i32
  }
  func.func @transform_6(%arg0: i32) -> (i32, i32) {
    %c0_i32 = arith.constant 0 : i32
    %c0_i32_0 = arith.constant 0 : i32
    return %arg0, %c0_i32 : i32, i32
  }
}

module attributes {stable_mosaic.version = 14 : i64} {
  func.func @_tc2_body(%arg0: i32, %arg1: memref<1024x128xf32, #tpu.memory_space<vmem>>, %arg2: memref<1024x8xf32, #tpu.memory_space<vmem>>, %arg3: memref<8x128xf32, #tpu.memory_space<vmem>>, %arg4: memref<1x128xf32, #tpu.memory_space<vmem>>, %arg5: memref<256x128xf32, #tpu.memory_space<vmem>>, %arg6: memref<1x128xf32, #tpu.memory_space<vmem>>, %arg7: memref<128x64xf32, #tpu.memory_space<vmem>>, %arg8: memref<64x1xf32, #tpu.memory_space<vmem>>, %arg9: memref<64x1024xf32, #tpu.memory_space<vmem>>) attributes {dimension_semantics = [#tpu.dimension_semantics<arbitrary>], iteration_bounds = array<i64: 16>, scalar_prefetch = 0 : i64, scratch_operands = 0 : i64, tpu.core_type = #tpu.core_type<tc>, window_params = [{transform_indices = @transform_0, window_bounds = array<i64: 1024, 128>}, {transform_indices = @transform_1, window_bounds = array<i64: 1024, 8>}, {pipeline_mode = #tpu.pipeline_mode<synchronous>, transform_indices = @transform_2, window_bounds = array<i64: 8, 128>}, {pipeline_mode = #tpu.pipeline_mode<synchronous>, transform_indices = @transform_3, window_bounds = array<i64: 1, 128>}, {pipeline_mode = #tpu.pipeline_mode<synchronous>, transform_indices = @transform_4, window_bounds = array<i64: 256, 128>}, {pipeline_mode = #tpu.pipeline_mode<synchronous>, transform_indices = @transform_5, window_bounds = array<i64: 1, 128>}, {pipeline_mode = #tpu.pipeline_mode<synchronous>, transform_indices = @transform_6, window_bounds = array<i64: 128, 64>}, {pipeline_mode = #tpu.pipeline_mode<synchronous>, transform_indices = @transform_7, window_bounds = array<i64: 64, 1>}, {transform_indices = @transform_8, window_bounds = array<i64: 64, 1024>}]} {
    %get3A = arith.constant 0 : index
    %get3A_0 = arith.constant 0 : index
    %get3A_1 = vector.load %arg5[%get3A, %get3A_0] : memref<256x128xf32, #tpu.memory_space<vmem>>, vector<128x128xf32>
    %get3A_2 = arith.constant 128 : index
    %get3A_3 = arith.constant 0 : index
    %get3A_4 = vector.load %arg5[%get3A_2, %get3A_3] : memref<256x128xf32, #tpu.memory_space<vmem>>, vector<128x128xf32>
    %get3A_5 = arith.constant 0 : index
    %get3A_6 = arith.constant 0 : index
    %get3A_7 = vector.load %arg3[%get3A_5, %get3A_6] : memref<8x128xf32, #tpu.memory_space<vmem>>, vector<8x128xf32>
    %dot_general3A = arith.constant dense<0.000000e+00> : vector<8x128xf32>
    %dot_general3A_8 = tpu.matmul %get3A_7, %get3A_4, %dot_general3A {dimension_numbers = #tpu.dot_dimension_numbers<[1], [0], [0], [1], [0, 0, 1, 1], [], []>, transpose_lhs_hint = false} : vector<8x128xf32>, vector<128x128xf32>, vector<8x128xf32> -> vector<8x128xf32>
    %get3A_9 = arith.constant 0 : index
    %get3A_10 = arith.constant 0 : index
    %get3A_11 = vector.load %arg4[%get3A_9, %get3A_10] : memref<1x128xf32, #tpu.memory_space<vmem>>, vector<1x128xf32>
    %dot_general3A_12 = arith.constant dense<0.000000e+00> : vector<1x128xf32>
    %dot_general3A_13 = tpu.matmul %get3A_11, %get3A_4, %dot_general3A_12 {dimension_numbers = #tpu.dot_dimension_numbers<[1], [0], [0], [1], [0, 0, 1, 1], [], []>, transpose_lhs_hint = false} : vector<1x128xf32>, vector<128x128xf32>, vector<1x128xf32> -> vector<1x128xf32>
    %get3A_14 = arith.constant 0 : index
    %get3A_15 = arith.constant 0 : index
    %get3A_16 = vector.load %arg6[%get3A_14, %get3A_15] : memref<1x128xf32, #tpu.memory_space<vmem>>, vector<1x128xf32>
    %add3A = arith.addf %dot_general3A_13, %get3A_16 : vector<1x128xf32>
    %get3A_17 = arith.constant 0 : index
    %get3A_18 = arith.constant 0 : index
    %get3A_19 = vector.load %arg2[%get3A_17, %get3A_18] : memref<1024x8xf32, #tpu.memory_space<vmem>>, vector<1024x8xf32>
    %mul3A = arith.mulf %get3A_19, %get3A_19 : vector<1024x8xf32>
    %broadcast_in_dim3A = arith.constant 3.71952865E-6 : f32
    %broadcast_in_dim3A_20 = vector.broadcast %broadcast_in_dim3A : f32 to vector<1024x8xf32>
    %mul3A_21 = arith.mulf %broadcast_in_dim3A_20, %mul3A : vector<1024x8xf32>
    %add3A_22 = arith.constant -1.03569051E-4 : f32
    %add3A_23 = vector.broadcast %add3A_22 : f32 to vector<1024x8xf32>
    %add3A_24 = arith.addf %mul3A_21, %add3A_23 : vector<1024x8xf32>
    %mul3A_25 = arith.mulf %add3A_24, %mul3A : vector<1024x8xf32>
    %add3A_26 = arith.constant 0.00192850584 : f32
    %add3A_27 = vector.broadcast %add3A_26 : f32 to vector<1024x8xf32>
    %add3A_28 = arith.addf %mul3A_25, %add3A_27 : vector<1024x8xf32>
    %mul3A_29 = arith.mulf %add3A_28, %mul3A : vector<1024x8xf32>
    %add3A_30 = arith.constant -0.0258062631 : f32
    %add3A_31 = vector.broadcast %add3A_30 : f32 to vector<1024x8xf32>
    %add3A_32 = arith.addf %mul3A_29, %add3A_31 : vector<1024x8xf32>
    %mul3A_33 = arith.mulf %add3A_32, %mul3A : vector<1024x8xf32>
    %add3A_34 = arith.constant 0.235330626 : f32
    %add3A_35 = vector.broadcast %add3A_34 : f32 to vector<1024x8xf32>
    %add3A_36 = arith.addf %mul3A_33, %add3A_35 : vector<1024x8xf32>
    %mul3A_37 = arith.mulf %add3A_36, %mul3A : vector<1024x8xf32>
    %add3A_38 = arith.constant -1.33526278 : f32
    %add3A_39 = vector.broadcast %add3A_38 : f32 to vector<1024x8xf32>
    %add3A_40 = arith.addf %mul3A_37, %add3A_39 : vector<1024x8xf32>
    %mul3A_41 = arith.mulf %add3A_40, %mul3A : vector<1024x8xf32>
    %add3A_42 = arith.constant 4.05871201 : f32
    %add3A_43 = vector.broadcast %add3A_42 : f32 to vector<1024x8xf32>
    %add3A_44 = arith.addf %mul3A_41, %add3A_43 : vector<1024x8xf32>
    %mul3A_45 = arith.mulf %add3A_44, %mul3A : vector<1024x8xf32>
    %add3A_46 = arith.constant -4.93480206 : f32
    %add3A_47 = vector.broadcast %add3A_46 : f32 to vector<1024x8xf32>
    %add3A_48 = arith.addf %mul3A_45, %add3A_47 : vector<1024x8xf32>
    %mul3A_49 = arith.mulf %add3A_48, %mul3A : vector<1024x8xf32>
    %add3A_50 = arith.constant 1.000000e+00 : f32
    %add3A_51 = vector.broadcast %add3A_50 : f32 to vector<1024x8xf32>
    %add3A_52 = arith.addf %mul3A_49, %add3A_51 : vector<1024x8xf32>
    %get3A_53 = arith.constant 0 : index
    %get3A_54 = arith.constant 0 : index
    %get3A_55 = vector.load %arg1[%get3A_53, %get3A_54] : memref<1024x128xf32, #tpu.memory_space<vmem>>, vector<1024x128xf32>
    %dot_general3A_56 = arith.constant dense<0.000000e+00> : vector<1024x128xf32>
    %dot_general3A_57 = tpu.matmul %get3A_55, %get3A_1, %dot_general3A_56 {dimension_numbers = #tpu.dot_dimension_numbers<[1], [0], [0], [1], [0, 0, 1, 1], [], []>, transpose_lhs_hint = false} : vector<1024x128xf32>, vector<128x128xf32>, vector<1024x128xf32> -> vector<1024x128xf32>
    %dot_general3A_58 = arith.constant dense<0.000000e+00> : vector<1024x128xf32>
    %dot_general3A_59 = tpu.matmul %add3A_52, %dot_general3A_8, %dot_general3A_58 {dimension_numbers = #tpu.dot_dimension_numbers<[1], [0], [0], [1], [0, 0, 1, 1], [], []>, transpose_lhs_hint = false} : vector<1024x8xf32>, vector<8x128xf32>, vector<1024x128xf32> -> vector<1024x128xf32>
    %add3A_60 = arith.addf %dot_general3A_57, %dot_general3A_59 : vector<1024x128xf32>
    %add3A_61 = vector.broadcast %add3A : vector<1x128xf32> to vector<1024x128xf32>
    %add3A_62 = arith.addf %add3A_60, %add3A_61 : vector<1024x128xf32>
    %max3A = arith.constant 0.000000e+00 : f32
    %max3A_63 = vector.broadcast %max3A : f32 to vector<1024x128xf32>
    %max3A_64 = arith.maximumf %add3A_62, %max3A_63 : vector<1024x128xf32>
    %get3A_65 = arith.constant 0 : index
    %get3A_66 = arith.constant 0 : index
    %get3A_67 = vector.load %arg7[%get3A_65, %get3A_66] : memref<128x64xf32, #tpu.memory_space<vmem>>, vector<128x64xf32>
    %dot_general3A_68 = arith.constant dense<0.000000e+00> : vector<64x1024xf32>
    %dot_general3A_69 = tpu.matmul %get3A_67, %max3A_64, %dot_general3A_68 {dimension_numbers = #tpu.dot_dimension_numbers<[0], [1], [1], [0], [0, 1, 1, 0], [], []>, transpose_lhs_hint = false} : vector<128x64xf32>, vector<1024x128xf32>, vector<64x1024xf32> -> vector<64x1024xf32>
    %get3A_70 = arith.constant 0 : index
    %get3A_71 = arith.constant 0 : index
    %get3A_72 = vector.load %arg8[%get3A_70, %get3A_71] : memref<64x1xf32, #tpu.memory_space<vmem>>, vector<64x1xf32>
    %add3A_73 = vector.broadcast %get3A_72 : vector<64x1xf32> to vector<64x1024xf32>
    %add3A_74 = arith.addf %dot_general3A_69, %add3A_73 : vector<64x1024xf32>
    %swap3A = arith.constant 0 : index
    %swap3A_75 = arith.constant 0 : index
    %swap3A_76 = vector.load %arg9[%swap3A, %swap3A_75] : memref<64x1024xf32, #tpu.memory_space<vmem>>, vector<64x1024xf32>
    tpu.vector_store %arg9[%swap3A, %swap3A_75], %add3A_74 {strides = array<i32>} : memref<64x1024xf32, #tpu.memory_space<vmem>>, vector<64x1024xf32>,
    return
  }
  func.func @transform_0(%arg0: i32) -> (i32, i32) {
    %c0_i32 = arith.constant 0 : i32
    %c0_i32_0 = arith.constant 0 : i32
    return %arg0, %c0_i32 : i32, i32
  }
  func.func @transform_1(%arg0: i32) -> (i32, i32) {
    %c0_i32 = arith.constant 0 : i32
    %c0_i32_0 = arith.constant 0 : i32
    return %arg0, %c0_i32 : i32, i32
  }
  func.func @transform_2(%arg0: i32) -> (i32, i32) {
    %c0_i32 = arith.constant 0 : i32
    %c0_i32_0 = arith.constant 0 : i32
    %c0_i32_1 = arith.constant 0 : i32
    return %c0_i32, %c0_i32_0 : i32, i32
  }
  func.func @transform_3(%arg0: i32) -> (i32, i32) {
    %c0_i32 = arith.constant 0 : i32
    %c0_i32_0 = arith.constant 0 : i32
    %c0_i32_1 = arith.constant 0 : i32
    return %c0_i32, %c0_i32_0 : i32, i32
  }
  func.func @transform_4(%arg0: i32) -> (i32, i32) {
    %c0_i32 = arith.constant 0 : i32
    %c0_i32_0 = arith.constant 0 : i32
    %c0_i32_1 = arith.constant 0 : i32
    return %c0_i32, %c0_i32_0 : i32, i32
  }
  func.func @transform_5(%arg0: i32) -> (i32, i32) {
    %c0_i32 = arith.constant 0 : i32
    %c0_i32_0 = arith.constant 0 : i32
    %c0_i32_1 = arith.constant 0 : i32
    return %c0_i32, %c0_i32_0 : i32, i32
  }
  func.func @transform_6(%arg0: i32) -> (i32, i32) {
    %c0_i32 = arith.constant 0 : i32
    %c0_i32_0 = arith.constant 0 : i32
    %c0_i32_1 = arith.constant 0 : i32
    return %c0_i32, %c0_i32_0 : i32, i32
  }
  func.func @transform_7(%arg0: i32) -> (i32, i32) {
    %c0_i32 = arith.constant 0 : i32
    %c0_i32_0 = arith.constant 0 : i32
    %c0_i32_1 = arith.constant 0 : i32
    return %c0_i32, %c0_i32_0 : i32, i32
  }
  func.func @transform_8(%arg0: i32) -> (i32, i32) {
    %c0_i32 = arith.constant 0 : i32
    %c0_i32_0 = arith.constant 0 : i32
    return %c0_i32, %arg0 : i32, i32
  }
}

</mosaic_0001>

<sc_bundles>
// kernel: kernel.6.cloned.1.call-start
scs
__scs_entry_jumppad:
0x0: {  	(pc) =	sbr.rel $0x88, $3  }
0x1: {  	(tag) =	ssettag $0x0;
	lr =	simm.s32 $0x1  }
0x2: {  	[smem:$0x3F95] =	sst lr;
	_ =	strace $0xD0000000  }
0x3: {  	_ = 	snop  }
0x4: {  	_ = 	snop  }
0x5: {  	_ = 	snop  }
0x6: {  	_ = 	snop  }
0x7: {  	_ = 	snop  }
__scs_overlays_trampoline_lowered:
0x8: {  	[smem:$0x3FA4] =	sst s0  }
0x9: {  	[smem:$0x3FA5] =	sst s1  }
0xa: {  	[smem:$0x3FA6] =	sst s2  }
0xb: {  	[smem:$0x3FA7] =	sst s3  }
0xc: {  	[smem:$0x3FA8] =	sst s4  }
0xd: {  	[smem:$0x3FA9] =	sst s5  }
0xe: {  	[smem:$0x3FAA] =	sst s6  }
0xf: {  	[smem:$0x3FAB] =	sst s7  }
0x10: {  	[smem:$0x3FAC] =	sst s8  }
0x11: {  	[smem:$0x3FAD] =	sst s9;
	s0 =	simm.s32 @!p0 $0x0  }
0x12: {  	s1 =	sld [smem:$0x3F93];
	s0 =	simm.s32 @p0 $0x1  }
0x13: {  	[smem:$0x3FAE] =	sst s0;
	s0 =	simm.s32 @!p1 $0x0  }
0x14: {  	s2 =	sld [smem:$0x3F92];
	s0 =	simm.s32 @p1 $0x1  }
0x15: {  	[smem:$0x3FAF] =	sst s0;
	s0 =	simm.s32 @!p2 $0x0  }
0x16: {  	s3 =	sld [smem:$0x3FDB];
	s0 =	simm.s32 @p2 $0x1  }
0x17: {  	s4 =	simm.s32 $0x1BF5;
	[smem:$0x3FB1] =	sst s0  }
0x18: {  	s0 =	sld [smem:$0x3F94];
	_ =	swait.ge [sflag:s4], $0x0  }
0x19: {  	s7 =	sld [smem:$0x3F95]  }
0x1a: {  	s8 =	sadd.s32 $0xFFFFE003, lr  }
0x1b: {  	s9 =	sadd.s32 $0xFFFFFEF7, lr;
	s5 =	simm.s32 $0xFFFFFFFF;
	p2 =	slt.u32 s8, $0xFFFFF086  }
0x1c: {  	p1 =	slt.u32 s9, $0xF7A;
	s5 =	simm.s32 @!p2 $0x0  }
0x1d: {  	s5 =	simm.s32 @p1 $0x1;
	p0 =	seq.s32 s7, s2  }
0x1e: {  	s7 =	smul.u32 @!p0 $0xF7A, s2;
	p2 =	seq.s32 @!p0 s5, $0x0  }
0x1f: {  	s9 =	smul.u32 $0xF7A, s1;
	s8 =	simm.s32 @!p0 $0x1BF5;
	p2 =	por !p2, p0  }
0x20: {  	[sflag:s8] =	ssyncset.s32 @!p0 $0xFFFFF086;
	s6 =	sadd.s32 @!p0 s3, s7;
	s7 =	simm.s32 @!p0 $0x108  }
0x21: {  	s3 =	sadd.s32 s3, s9;
	s6 =	sadd.s32 @!p0 $0x88, s6;
	s7 =	simm.s32 @p2 $0x1082  }
0x22: {  	[simem:s7], [sflag:s8] =	dma.local @!p0 [hbm:s6], $0xF7A  }
0x23: {  	s9 =	sor.u32 $0xD0000000, s2;
	s6 =	simm.s32 $0x108;
	_ =	swait.ge @!p0 [sflag:s8], $0x0  }
0x24: {  	s3 =	sadd.s32 $0x88, s3;
	s6 =	simm.s32 @!p1 $0x1082;
	[sflag:s4] =	ssyncset.s32 $0xFFFFF086  }
0x25: {  	[simem:s6], [sflag:s4] =	dma.local [hbm:s3], $0xF7A  }
0x26: {  	[smem:$0x3F95] =	sst s1;
	(tag) =	ssettag s2;
	_ =	strace s9  }
0x27: {  	s1 =	sld [smem:$0x3FA5]  }
0x28: {  	s2 =	sld [smem:$0x3FA6]  }
0x29: {  	s4 =	sld [smem:$0x3FA8]  }
0x2a: {  	p0 =	seq.s32 s5, $0x0;
	s5 =	sld [smem:$0x3FA9]  }
0x2b: {  	s6 =	sld [smem:$0x3FAA]  }
0x2c: {  	s7 =	sld [smem:$0x3FAB]  }
0x2d: {  	s3 =	simm.s32 $0x108;
	s8 =	sld [smem:$0x3FAC]  }
0x2e: {  	s3 =	simm.s32 @!p0 $0x1082;
	s9 =	sld [smem:$0x3FAD]  }
0x2f: {  	lr =	sadd.s32 s0, s3;
	s0 =	sld [smem:$0x3FA4]  }
0x30: {  	s3 =	sld [smem:$0x3FA7]  }
0x31: {  	[smem:$0x3FB0] =	sst s10  }
0x32: {  	s10 =	sld [smem:$0x3FAE];
	_ =	sdelay $0x3  }
0x33: {  	p0 =	seq.s32 s10, $0x1;
	s10 =	sld [smem:$0x3FB0];
	_ =	sdelay $0x3  }
0x34: {  	[smem:$0x3FB0] =	sst s10  }
0x35: {  	s10 =	sld [smem:$0x3FAF];
	_ =	sdelay $0x3  }
0x36: {  	p1 =	seq.s32 s10, $0x1;
	s10 =	sld [smem:$0x3FB0];
	_ =	sdelay $0x3  }
0x37: {  	[smem:$0x3FB0] =	sst s10  }
0x38: {  	s10 =	sld [smem:$0x3FB1]  }
0x39: {  	_ = 	snop;
	(pc) =	sbr.ind lr, $3  }
0x3a: {  	_ = 	snop  }
0x3b: {  	_ = 	snop  }
0x3c: {  	p2 =	seq.s32 s10, $0x1;
	s10 =	sld [smem:$0x3FB0]  }
0x3d: {  	_ =	shalt  }
0x3e: {  	_ =	shalt  }
0x3f: {  	_ =	shalt  }
0x40: {  	_ =	shalt  }
0x41: {  	_ =	shalt  }
0x42: {  	_ =	shalt  }
0x43: {  	_ =	shalt  }
0x44: {  	_ =	shalt  }
0x45: {  	_ =	shalt  }
0x46: {  	_ =	shalt  }
0x47: {  	_ =	shalt  }
0x48: {  	_ =	shalt  }
0x49: {  	_ =	shalt  }
0x4a: {  	_ =	shalt  }
0x4b: {  	_ =	shalt  }
0x4c: {  	_ =	shalt  }
0x4d: {  	_ =	shalt  }
0x4e: {  	_ =	shalt  }
0x4f: {  	_ =	shalt  }
0x50: {  	_ =	shalt  }
0x51: {  	_ =	shalt  }
0x52: {  	_ =	shalt  }
0x53: {  	_ =	shalt  }
0x54: {  	_ =	shalt  }
0x55: {  	_ =	shalt  }
0x56: {  	_ =	shalt  }
0x57: {  	_ =	shalt  }
0x58: {  	_ =	shalt  }
0x59: {  	_ =	shalt  }
0x5a: {  	_ =	shalt  }
0x5b: {  	_ =	shalt  }
0x5c: {  	_ =	shalt  }
0x5d: {  	_ =	shalt  }
0x5e: {  	_ =	shalt  }
0x5f: {  	_ =	shalt  }
0x60: {  	_ =	shalt  }
0x61: {  	_ =	shalt  }
0x62: {  	_ =	shalt  }
0x63: {  	_ =	shalt  }
0x64: {  	_ =	shalt  }
0x65: {  	_ =	shalt  }
0x66: {  	_ =	shalt  }
0x67: {  	_ =	shalt  }
0x68: {  	_ =	shalt  }
0x69: {  	_ =	shalt  }
0x6a: {  	_ =	shalt  }
0x6b: {  	_ =	shalt  }
0x6c: {  	_ =	shalt  }
0x6d: {  	_ =	shalt  }
0x6e: {  	_ =	shalt  }
0x6f: {  	_ =	shalt  }
0x70: {  	_ =	shalt  }
0x71: {  	_ =	shalt  }
0x72: {  	_ =	shalt  }
0x73: {  	_ =	shalt  }
0x74: {  	_ =	shalt  }
0x75: {  	_ =	shalt  }
0x76: {  	_ =	shalt  }
0x77: {  	_ =	shalt  }
0x78: {  	_ =	shalt  }
0x79: {  	_ =	shalt  }
0x7a: {  	_ =	shalt  }
0x7b: {  	_ =	shalt  }
0x7c: {  	_ =	shalt  }
0x7d: {  	_ =	shalt  }
0x7e: {  	_ =	shalt  }
0x7f: {  	_ =	shalt  }
0x80: {  	_ =	shalt  }
0x81: {  	_ =	shalt  }
0x82: {  	_ =	shalt  }
0x83: {  	_ =	shalt  }
0x84: {  	_ =	shalt  }
0x85: {  	_ =	shalt  }
0x86: {  	_ =	shalt  }
0x87: {  	_ =	shalt  }
.Lfunc_end0:
.L_simem_size_0:
called_computation_lowered:
.L_overlay_start_0:
0x88: {  	s0 =	sld [smem:$0x3FD9]  }
0x89: {  	s1 =	sld [smem:$0x3FFE];
	_ =	sdelay $0x3  }
0x8a: {  	s0 =	sadd.s32 s1, s0  }
0x8b: {  	[smem:$0x3FBC] =	sst s0  }
0x8c: {  	_ = 	snop  }
0x8d: {  	s0 =	sld [smem:$0x3FC8];
	(tm) =	ssettm $0x1  }
0x8e: {  	s16 =	sld [smem:$0x3FFB];
	_ =	sdelay $0x3  }
0x8f: {  	_ =	strace s16  }
0x90: {  	s1 =	sld [smem:$0x3FFC];
	_ =	sdelay $0x3  }
0x91: {  	_ =	strace s1  }
0x92: {  	s1 =	sld [smem:$0x3FFD];
	_ =	sdelay $0x3  }
0x93: {  	_ =	strace s1  }
0x94: {  	_ =	strace $0x8FFFFFFF  }
0x95: {  	s17 =	sld [smem:$0x3FDB];
	_ =	sdelay $0x1  }
0x96: {  	s2 =	simm.s32 $_scs_section_size  }
0x97: {  	s3 =	simm.s32 $_size__tile_overlayer_lowered;
	s4 =	simm.s32 $_tile_overlayer_lowered  }
0x98: {  	s20 =	simm.s32 $0x1BFF;
	s19 =	sshll.u32 s4, $0x1;
	s1 =	sadd.s32 s2, s17  }
0x99: {  	s5 =	simm.s32 $0x0;
	s18 =	sshll.u32 s3, $0x1;
	s3 =	sadd.s32 s19, s1  }
0x9a: {  	[timem:s5], [sflag:s20] =	dma.local [hbm:s3], s18  }
0x9b: {  	_ =	swait.ge [sflag:s20], s18  }
0x9c: {  	s2 =	ssub.s32 $0x0, s18;
	[sflag:s20] =	ssyncset.done $0x0  }
0x9d: {  	[sflag:s20] =	ssyncadd.s32 s2;
	_ =	sdelay $0x1  }
0x9e: {  	s21 =	simm.s32 $0x1B8B  }
0x9f: {  	_ =	swait.ge [sflag:s21], $0x1  }
0xa0: {  	[sflag:s21] =	ssyncset.done $0x0  }
0xa1: {  	s23 =	simm.s32 $0x1B8E;
	s22 =	sld [smem:$0x3FFE];
	[sflag:s21] =	ssyncadd.s32 $0xFFFFFFFF  }
0xa2: {  	s24 =	simm.s32 $execute0_lowered;
	[smem:$0x3FD2] =	sst s23  }
0xa3: {  	s3 =	sshll.u32 s24, $0x1;
	_ =	strace $0x80000046;
	[dreg:$0x1] =	wrdreg $0xFFFFFFFF  }
0xa4: {  	s25 =	simm.s32 $_size_execute0_lowered;
	s1 =	sadd.s32 s1, s3;
	[dreg:$0x0] =	wrdreg $0x0  }
0xa5: {  	s3 =	sshll.u32 s25, $0x1;
	[dreg:$0x2] =	wrdreg s1  }
0xa6: {  	[dreg:$0x3] =	wrdreg s3  }
0xa7: {  	[dreg:$0x4] =	wrdreg $0xC0  }
0xa8: {  	_ =	task [dreg:s5], $0x5FFFF  }
0xa9: {  	[dreg:$0x1] =	wrdreg $0xFFFFFFFF  }
0xaa: {  	[dreg:$0x0] =	wrdreg $0x60  }
0xab: {  	[dreg:$0x2] =	wrdreg s0  }
0xac: {  	[dreg:$0x3] =	wrdreg s22  }
0xad: {  	[dreg:$0x4] =	wrdreg $0x9  }
0xae: {  	_ =	task.clear_ibuf [dreg:s5], $0x5FFFF;
	_ =	strace $0x90000046  }
0xaf: {  	s26 =	simm.s32 $0x9;
	_ =	strace $0x80000048  }
0xb0: {  	_ =	swait.ge [sflag:s26], $0x1  }
0xb1: {  	[sflag:s26] =	ssyncadd.s32 $0xFFFFFFFF  }
0xb2: {  	_ =	strace $0x90000048  }
0xb3: {  	_ =	sfence  }
0xb4: {  	s28 =	sld [smem:$0x0];
	_ =	sdelay $0x1  }
0xb5: {  	s29 =	srdreg.scid  }
0xb6: {  	s30 =	sshll.u32 s29, $0xD;
	s31 =	sshrl.u32 s29, $0x2  }
0xb7: {  	s2 =	sand.u32 $0x4000, s30;
	s1 =	sand.u32 $0x1, s29;
	s0 =	sadd.s32 s31, s28  }
0xb8: {  	s1 =	sor.u32 s2, s1;
	s0 =	sshll.u32 s0, $0x11  }
0xb9: {  	s0 =	sor.u32 s0, s1  }
0xba: {  	s0 =	sadd.s32 $0x8F2B, s0  }
0xbb: {  	[sflag:s0] =	ssyncadd.remote.s32 $0x1  }
0xbc: {  	_ =	sfence.sel $0xFFFF  }
0xbd: {  	[dreg:$0x0] =	wrdreg $0xFFFFFFFF;
	(pc) =	sbr.abs _section_cstart, $3  }
0xbe: {  	[dreg:$0x1] =	wrdreg $0xFFFFFFFF  }
0xbf: {  	_ =	task.clear_ibuf [dreg:s5], $0x2FFFF;
	_ =	strace $0x9FFFFFFF  }
0xc0: {  	(tm) =	ssettm $0x7FFFFFFF  }
0xc1: {  	_ =	shalt  }
tec
execute0_lowered:
.L_overlay_start_1:
0x0: {  	(tag) =	ssettag $0x1  }
0x1: {  	s1 =	rddreg [dreg:$0x0]  }
0x2: {  	s2 =	rddreg [dreg:$0x1];
	s3 =	simm.s32 $0x0  }
0x3: {  	[smem:$0x7FF] =	sst s3  }
0x4: {  	s0 =	rddreg [dreg:$0x2];
	s31 =	simm.s32 $0x1;
	_ =	strace $0x80000047  }
0x5: {  	[tilespmem:s3], [sflag:$0x1] =	stream.linear.gather [hbm4b:s1+s3], $0x4000, $0x38;
	[tilespmem:$0x1CAA0] =	vst v63  }
0x6: {  	s4 =	simm.s32 $0x40;
	_ =	swait.ge [sflag:s31], $0x4000  }
0x7: {  	s5 =	simm.s32 $0x4000;
	s2 =	sadd.s32 $0x2600, s2;
	[sflag:s31] =	ssyncset.done $0x0  }
0x8: {  	v0 =	vlaneseq.u32;
	s1 =	stileid.u32;
	s3 =	simm.s32 $0x70;
	[sflag:s31] =	ssyncadd.s32 $0xFFFFC000  }
.LBB2_1:
0x9: {  	v1 =	vld [tilespmem:s4+$0xFFFFFFC0];
	_ =	sdelay $0x4  }
0xa: {  	(xrf1) =	vunique.msk.u32 $0xffff, v1;
	_ =	sdelay $0xd  }
0xb: {  	_, v2, vm0 =	vpop (xrf1);
	_ =	sdelay $0x3  }
0xc: {  	s6 =	sadd.s32 $0xFFFFFF90, s3  }
0xd: {  	v2 =	vor.u32 s6, v0  }
0xe: {  	[tilespmem:v1+s5+$0x0] =	vst.idx.msk vm0, v2  }
0xf: {  	v1 =	vld [tilespmem:s4+$0xFFFFFFD0];
	_ =	sdelay $0x4  }
0x10: {  	(xrf1) =	vunique.msk.u32 $0xffff, v1;
	_ =	sdelay $0xd  }
0x11: {  	_, v2, vm0 =	vpop (xrf1);
	_ =	sdelay $0x3  }
0x12: {  	s25 =	sadd.s32 $0xFFFFFFA0, s3  }
0x13: {  	v2 =	vor.u32 s25, v0  }
0x14: {  	[tilespmem:v1+s5+$0x0] =	vst.idx.msk vm0, v2  }
0x15: {  	v1 =	vld [tilespmem:s4+$0xFFFFFFE0];
	_ =	sdelay $0x4  }
0x16: {  	(xrf1) =	vunique.msk.u32 $0xffff, v1;
	_ =	sdelay $0xd  }
0x17: {  	_, v2, vm0 =	vpop (xrf1);
	_ =	sdelay $0x3  }
0x18: {  	s26 =	sadd.s32 $0xFFFFFFB0, s3  }
0x19: {  	v2 =	vor.u32 s26, v0  }
0x1a: {  	[tilespmem:v1+s5+$0x0] =	vst.idx.msk vm0, v2  }
0x1b: {  	v1 =	vld [tilespmem:s4+$0xFFFFFFF0];
	_ =	sdelay $0x4  }
0x1c: {  	(xrf1) =	vunique.msk.u32 $0xffff, v1;
	_ =	sdelay $0xd  }
0x1d: {  	_, v2, vm0 =	vpop (xrf1);
	_ =	sdelay $0x3  }
0x1e: {  	s28 =	sadd.s32 $0xFFFFFFC0, s3  }
0x1f: {  	v2 =	vor.u32 s28, v0  }
0x20: {  	[tilespmem:v1+s5+$0x0] =	vst.idx.msk vm0, v2  }
0x21: {  	v1 =	vld [tilespmem:s4+$0x0];
	_ =	sdelay $0x4  }
0x22: {  	(xrf1) =	vunique.msk.u32 $0xffff, v1;
	_ =	sdelay $0xd  }
0x23: {  	_, v2, vm0 =	vpop (xrf1);
	_ =	sdelay $0x3  }
0x24: {  	s29 =	sadd.s32 $0xFFFFFFD0, s3  }
0x25: {  	v2 =	vor.u32 s29, v0  }
0x26: {  	[tilespmem:v1+s5+$0x0] =	vst.idx.msk vm0, v2  }
0x27: {  	v1 =	vld [tilespmem:s4+$0x10];
	_ =	sdelay $0x4  }
0x28: {  	(xrf1) =	vunique.msk.u32 $0xffff, v1;
	_ =	sdelay $0xd  }
0x29: {  	_, v2, vm0 =	vpop (xrf1);
	_ =	sdelay $0x3  }
0x2a: {  	s30 =	sadd.s32 $0xFFFFFFE0, s3  }
0x2b: {  	v2 =	vor.u32 s30, v0  }
0x2c: {  	[tilespmem:v1+s5+$0x0] =	vst.idx.msk vm0, v2  }
0x2d: {  	v1 =	vld [tilespmem:s4+$0x20];
	_ =	sdelay $0x4  }
0x2e: {  	(xrf1) =	vunique.msk.u32 $0xffff, v1;
	_ =	sdelay $0xd  }
0x2f: {  	_, v2, vm0 =	vpop (xrf1);
	_ =	sdelay $0x3  }
0x30: {  	s31 =	sadd.s32 $0xFFFFFFF0, s3  }
0x31: {  	v2 =	vor.u32 s31, v0  }
0x32: {  	[tilespmem:v1+s5+$0x0] =	vst.idx.msk vm0, v2  }
0x33: {  	v1 =	vld [tilespmem:s4+$0x30];
	_ =	sdelay $0x4  }
0x34: {  	(xrf1) =	vunique.msk.u32 $0xffff, v1;
	_ =	sdelay $0xd  }
0x35: {  	_, v2, vm0 =	vpop (xrf1)  }
0x36: {  	p0 =	sne.s32 s3, $0x3FF0  }
.Ltmp0:
0x37: {  	_ = 	snop;
	(pc) =	sbr.rel @p0 .LBB2_1-.Ltmp0, $3  }
0x38: {  	_ =	sdelay $0x1  }
0x39: {  	v2 =	vor.u32 s3, v0  }
0x3a: {  	s4 =	sadd.s32 $0x80, s4;
	s3 =	sadd.s32 $0x80, s3;
	[tilespmem:v1+s5+$0x0] =	vst.idx.msk vm0, v2  }
0x3b: {  	s4 =	sshll.u32 s1, $0xA  }
0x3c: {  	v0 =	vmov s4;
	_ =	sdelay $0x3  }
0x3d: {  	s3 =	simm.s32 $0x4000;
	s5 =	simm.s32 $0x40;
	s4 =	simm.s32 $0x0  }
.LBB2_3:
0x3e: {  	p0 =	sne.s32 s5, $0xFC0;
	v1 =	vld.idx.msk [tilespmem:v0+s4+$0x0 ss:$0x1], $0xffff;
	_ =	sdelay $0x7  }
0x3f: {  	v1 =	vld.idx.msk [tilespmem:v1+s3+$0x0], $0xffff;
	_ =	sdelay $0x1  }
.Ltmp1:
0x40: {  	(pc) =	sbr.rel @p0 .LBB2_3-.Ltmp1, $2  }
0x41: {  	_ =	sdelay $0x2  }
0x42: {  	[tilespmem:s4+$0x1C6A0] =	vst v1;
	s4 =	sshra.s32 s5, $0x2;
	s5 =	sadd.s32 $0x40, s5  }
0x43: {  	_ =	sdelay $0x3  }
0x44: {  	v0 =	vld.idx.msk [tilespmem:v0+s4+$0x0 ss:$0x1], $0xffff;
	_ =	sdelay $0x7  }
0x45: {  	v0 =	vld.idx.msk [tilespmem:v0+s3+$0x0], $0xffff;
	_ =	sdelay $0x3  }
0x46: {  	s28 =	sshll.u32 s1, $0x7;
	s29 =	simm.s32 $0x0  }
0x47: {  	s30 =	simm.s32 $0x1C6A0;
	s31 =	simm.s32 $0x1;
	s2 =	sadd.s32 s2, s28;
	[tilespmem:s4+$0x1C6A0] =	vst v0  }
0x48: {  	[hbm4b:s2+s29] =	stream.linear.scatter [tilespmem:s30], [sflag:$0x1], $0x400, $0x38;
	[tilespmem:$0x1CAA0] =	vst v63  }
0x49: {  	_ =	swait.ge [sflag:s31], $0x400  }
0x4a: {  	[sflag:s31] =	ssyncset.done $0x0  }
0x4b: {  	[sflag:s31] =	ssyncadd.s32 $0xFFFFFC00  }
0x4c: {  	_ =	sfence.sel $0x180000  }
0x4d: {  	[bflag:$0x0] =	sbarrier.arrive $0xFFFF  }
0x4e: {  	p0 =	sne.s32 s1, $0x0;
	_ =	strace $0x90000047  }
0x4f: {  	s0 =	sadd.s32 @!p0 $0x100000, s0;
	[bflag:$0x2] =	sbarrier.arrive $0xFFFF  }
0x50: {  	[sflag:s0] =	ssyncadd.tile.s32 @!p0 $0x1;
	_ =	shalt  }
.Lfunc_end2:
_tile_overlayer_lowered:
.L_overlay_start_2:
0x51: {  	(tag) =	ssettag $0x2  }
0x52: {  	s0 =	rddreg [dreg:$0x0];
	s2 =	stileid.u32  }
0x53: {  	s1 =	rddreg [dreg:$0x1];
	p0 =	sne.s32 s2, $0x0  }
0x54: {  	s3 =	rddreg [dreg:$0x2];
	[bflag:$0x3] =	sbarrier.arrive $0xFFFF;
	s2 =	simm.s32 @!p0 $0x1C01  }
0x55: {  	[timem:s3], [sflag:s2] =	dma.local @!p0 [hbm:s0], s1  }
0x56: {  	s0 =	simm.s32 @!p0 $0x1  }
0x57: {  	_ =	swait.ge @!p0 [sflag:s0], s1  }
0x58: {  	s1 =	ssub.s32 @!p0 $0x0, s1;
	[sflag:s0] =	ssyncset.done @!p0 $0x0  }
0x59: {  	[sflag:s0] =	ssyncadd.s32 @!p0 s1  }
0x5a: {  	[bflag:$0x3] =	sbarrier.arrive $0xFFFF  }
0x5b: {  	_ =	shalt  }

// kernel: kernel.9.cloned.1.call-start
scs
__scs_entry_jumppad:
0x0: {  	(pc) =	sbr.rel $0x88, $3  }
0x1: {  	(tag) =	ssettag $0x0;
	lr =	simm.s32 $0x1  }
0x2: {  	[smem:$0x3F95] =	sst lr;
	_ =	strace $0xD0000000  }
0x3: {  	_ = 	snop  }
0x4: {  	_ = 	snop  }
0x5: {  	_ = 	snop  }
0x6: {  	_ = 	snop  }
0x7: {  	_ = 	snop  }
__scs_overlays_trampoline_lowered:
0x8: {  	[smem:$0x3FA4] =	sst s0  }
0x9: {  	[smem:$0x3FA5] =	sst s1  }
0xa: {  	[smem:$0x3FA6] =	sst s2  }
0xb: {  	[smem:$0x3FA7] =	sst s3  }
0xc: {  	[smem:$0x3FA8] =	sst s4  }
0xd: {  	[smem:$0x3FA9] =	sst s5  }
0xe: {  	[smem:$0x3FAA] =	sst s6  }
0xf: {  	[smem:$0x3FAB] =	sst s7  }
0x10: {  	[smem:$0x3FAC] =	sst s8  }
0x11: {  	[smem:$0x3FAD] =	sst s9;
	s0 =	simm.s32 @!p0 $0x0  }
0x12: {  	s1 =	sld [smem:$0x3F93];
	s0 =	simm.s32 @p0 $0x1  }
0x13: {  	[smem:$0x3FAE] =	sst s0;
	s0 =	simm.s32 @!p1 $0x0  }
0x14: {  	s2 =	sld [smem:$0x3F92];
	s0 =	simm.s32 @p1 $0x1  }
0x15: {  	[smem:$0x3FAF] =	sst s0;
	s0 =	simm.s32 @!p2 $0x0  }
0x16: {  	s3 =	sld [smem:$0x3FDB];
	s0 =	simm.s32 @p2 $0x1  }
0x17: {  	s4 =	simm.s32 $0x1BF5;
	[smem:$0x3FB1] =	sst s0  }
0x18: {  	s0 =	sld [smem:$0x3F94];
	_ =	swait.ge [sflag:s4], $0x0  }
0x19: {  	s7 =	sld [smem:$0x3F95]  }
0x1a: {  	s8 =	sadd.s32 $0xFFFFE003, lr  }
0x1b: {  	s9 =	sadd.s32 $0xFFFFFEF7, lr;
	s5 =	simm.s32 $0xFFFFFFFF;
	p2 =	slt.u32 s8, $0xFFFFF086  }
0x1c: {  	p1 =	slt.u32 s9, $0xF7A;
	s5 =	simm.s32 @!p2 $0x0  }
0x1d: {  	s5 =	simm.s32 @p1 $0x1;
	p0 =	seq.s32 s7, s2  }
0x1e: {  	s7 =	smul.u32 @!p0 $0xF7A, s2;
	p2 =	seq.s32 @!p0 s5, $0x0  }
0x1f: {  	s9 =	smul.u32 $0xF7A, s1;
	s8 =	simm.s32 @!p0 $0x1BF5;
	p2 =	por !p2, p0  }
0x20: {  	[sflag:s8] =	ssyncset.s32 @!p0 $0xFFFFF086;
	s6 =	sadd.s32 @!p0 s3, s7;
	s7 =	simm.s32 @!p0 $0x108  }
0x21: {  	s3 =	sadd.s32 s3, s9;
	s6 =	sadd.s32 @!p0 $0x88, s6;
	s7 =	simm.s32 @p2 $0x1082  }
0x22: {  	[simem:s7], [sflag:s8] =	dma.local @!p0 [hbm:s6], $0xF7A  }
0x23: {  	s9 =	sor.u32 $0xD0000000, s2;
	s6 =	simm.s32 $0x108;
	_ =	swait.ge @!p0 [sflag:s8], $0x0  }
0x24: {  	s3 =	sadd.s32 $0x88, s3;
	s6 =	simm.s32 @!p1 $0x1082;
	[sflag:s4] =	ssyncset.s32 $0xFFFFF086  }
0x25: {  	[simem:s6], [sflag:s4] =	dma.local [hbm:s3], $0xF7A  }
0x26: {  	[smem:$0x3F95] =	sst s1;
	(tag) =	ssettag s2;
	_ =	strace s9  }
0x27: {  	s1 =	sld [smem:$0x3FA5]  }
0x28: {  	s2 =	sld [smem:$0x3FA6]  }
0x29: {  	s4 =	sld [smem:$0x3FA8]  }
0x2a: {  	p0 =	seq.s32 s5, $0x0;
	s5 =	sld [smem:$0x3FA9]  }
0x2b: {  	s6 =	sld [smem:$0x3FAA]  }
0x2c: {  	s7 =	sld [smem:$0x3FAB]  }
0x2d: {  	s3 =	simm.s32 $0x108;
	s8 =	sld [smem:$0x3FAC]  }
0x2e: {  	s3 =	simm.s32 @!p0 $0x1082;
	s9 =	sld [smem:$0x3FAD]  }
0x2f: {  	lr =	sadd.s32 s0, s3;
	s0 =	sld [smem:$0x3FA4]  }
0x30: {  	s3 =	sld [smem:$0x3FA7]  }
0x31: {  	[smem:$0x3FB0] =	sst s10  }
0x32: {  	s10 =	sld [smem:$0x3FAE];
	_ =	sdelay $0x3  }
0x33: {  	p0 =	seq.s32 s10, $0x1;
	s10 =	sld [smem:$0x3FB0];
	_ =	sdelay $0x3  }
0x34: {  	[smem:$0x3FB0] =	sst s10  }
0x35: {  	s10 =	sld [smem:$0x3FAF];
	_ =	sdelay $0x3  }
0x36: {  	p1 =	seq.s32 s10, $0x1;
	s10 =	sld [smem:$0x3FB0];
	_ =	sdelay $0x3  }
0x37: {  	[smem:$0x3FB0] =	sst s10  }
0x38: {  	s10 =	sld [smem:$0x3FB1]  }
0x39: {  	_ = 	snop;
	(pc) =	sbr.ind lr, $3  }
0x3a: {  	_ = 	snop  }
0x3b: {  	_ = 	snop  }
0x3c: {  	p2 =	seq.s32 s10, $0x1;
	s10 =	sld [smem:$0x3FB0]  }
0x3d: {  	_ =	shalt  }
0x3e: {  	_ =	shalt  }
0x3f: {  	_ =	shalt  }
0x40: {  	_ =	shalt  }
0x41: {  	_ =	shalt  }
0x42: {  	_ =	shalt  }
0x43: {  	_ =	shalt  }
0x44: {  	_ =	shalt  }
0x45: {  	_ =	shalt  }
0x46: {  	_ =	shalt  }
0x47: {  	_ =	shalt  }
0x48: {  	_ =	shalt  }
0x49: {  	_ =	shalt  }
0x4a: {  	_ =	shalt  }
0x4b: {  	_ =	shalt  }
0x4c: {  	_ =	shalt  }
0x4d: {  	_ =	shalt  }
0x4e: {  	_ =	shalt  }
0x4f: {  	_ =	shalt  }
0x50: {  	_ =	shalt  }
0x51: {  	_ =	shalt  }
0x52: {  	_ =	shalt  }
0x53: {  	_ =	shalt  }
0x54: {  	_ =	shalt  }
0x55: {  	_ =	shalt  }
0x56: {  	_ =	shalt  }
0x57: {  	_ =	shalt  }
0x58: {  	_ =	shalt  }
0x59: {  	_ =	shalt  }
0x5a: {  	_ =	shalt  }
0x5b: {  	_ =	shalt  }
0x5c: {  	_ =	shalt  }
0x5d: {  	_ =	shalt  }
0x5e: {  	_ =	shalt  }
0x5f: {  	_ =	shalt  }
0x60: {  	_ =	shalt  }
0x61: {  	_ =	shalt  }
0x62: {  	_ =	shalt  }
0x63: {  	_ =	shalt  }
0x64: {  	_ =	shalt  }
0x65: {  	_ =	shalt  }
0x66: {  	_ =	shalt  }
0x67: {  	_ =	shalt  }
0x68: {  	_ =	shalt  }
0x69: {  	_ =	shalt  }
0x6a: {  	_ =	shalt  }
0x6b: {  	_ =	shalt  }
0x6c: {  	_ =	shalt  }
0x6d: {  	_ =	shalt  }
0x6e: {  	_ =	shalt  }
0x6f: {  	_ =	shalt  }
0x70: {  	_ =	shalt  }
0x71: {  	_ =	shalt  }
0x72: {  	_ =	shalt  }
0x73: {  	_ =	shalt  }
0x74: {  	_ =	shalt  }
0x75: {  	_ =	shalt  }
0x76: {  	_ =	shalt  }
0x77: {  	_ =	shalt  }
0x78: {  	_ =	shalt  }
0x79: {  	_ =	shalt  }
0x7a: {  	_ =	shalt  }
0x7b: {  	_ =	shalt  }
0x7c: {  	_ =	shalt  }
0x7d: {  	_ =	shalt  }
0x7e: {  	_ =	shalt  }
0x7f: {  	_ =	shalt  }
0x80: {  	_ =	shalt  }
0x81: {  	_ =	shalt  }
0x82: {  	_ =	shalt  }
0x83: {  	_ =	shalt  }
0x84: {  	_ =	shalt  }
0x85: {  	_ =	shalt  }
0x86: {  	_ =	shalt  }
0x87: {  	_ =	shalt  }
.Lfunc_end0:
.L_simem_size_0:
called_computation.1_lowered:
.L_overlay_start_0:
0x88: {  	s0 =	sld [smem:$0x3FD9]  }
0x89: {  	s1 =	sld [smem:$0x3FFE];
	_ =	sdelay $0x3  }
0x8a: {  	s0 =	sadd.s32 s1, s0  }
0x8b: {  	[smem:$0x3FBC] =	sst s0  }
0x8c: {  	_ = 	snop  }
0x8d: {  	s0 =	sld [smem:$0x3FD0];
	_ =	sdelay $0x2  }
0x8e: {  	s13 =	simm.s32 $0xA;
	s2 =	simm.s32 $0x10  }
0x8f: {  	[smem:s2], [sflag:s13] =	dma.local [hbm:s0], $0x1  }
0x90: {  	_ =	swait.eq [sflag:s13], $0x1  }
0x91: {  	[sflag:s13] =	ssyncset.done $0x0  }
0x92: {  	[sflag:s13] =	ssyncadd.s32 $0xFFFFFFFF  }
0x93: {  	s14 =	sld [smem:$0x10];
	(tm) =	ssettm $0x1  }
0x94: {  	s15 =	sld [smem:$0x3FFB];
	_ =	sdelay $0x3  }
0x95: {  	_ =	strace s15  }
0x96: {  	s1 =	sld [smem:$0x3FFC];
	_ =	sdelay $0x3  }
0x97: {  	_ =	strace s1  }
0x98: {  	s1 =	sld [smem:$0x3FFD];
	_ =	sdelay $0x3  }
0x99: {  	_ =	strace s1  }
0x9a: {  	_ =	strace $0x8FFFFFFF  }
0x9b: {  	s16 =	sld [smem:$0x3FDB];
	_ =	sdelay $0x1  }
0x9c: {  	s17 =	simm.s32 $_scs_section_size  }
0x9d: {  	s3 =	simm.s32 $_size__tile_overlayer_lowered;
	s4 =	simm.s32 $_tile_overlayer_lowered  }
0x9e: {  	s20 =	simm.s32 $0x1BFF;
	s19 =	sshll.u32 s4, $0x1;
	s1 =	sadd.s32 s17, s16  }
0x9f: {  	s5 =	simm.s32 $0x0;
	s18 =	sshll.u32 s3, $0x1;
	s3 =	sadd.s32 s19, s1  }
0xa0: {  	[timem:s5], [sflag:s20] =	dma.local [hbm:s3], s18  }
0xa1: {  	_ =	swait.ge [sflag:s20], s18  }
0xa2: {  	s2 =	ssub.s32 $0x0, s18;
	[sflag:s20] =	ssyncset.done $0x0  }
0xa3: {  	[sflag:s20] =	ssyncadd.s32 s2;
	_ =	sdelay $0x1  }
0xa4: {  	s21 =	simm.s32 $0x1B8B  }
0xa5: {  	_ =	swait.ge [sflag:s21], $0x1  }
0xa6: {  	[sflag:s21] =	ssyncset.done $0x0  }
0xa7: {  	s23 =	simm.s32 $0x1B8E;
	s22 =	sld [smem:$0x3FFE];
	[sflag:s21] =	ssyncadd.s32 $0xFFFFFFFF  }
0xa8: {  	s24 =	simm.s32 $execute0_lowered;
	[smem:$0x3FD2] =	sst s23  }
0xa9: {  	s3 =	sshll.u32 s24, $0x1;
	_ =	strace $0x80000049;
	[dreg:$0x1] =	wrdreg $0xFFFFFFFF  }
0xaa: {  	s25 =	simm.s32 $_size_execute0_lowered;
	s1 =	sadd.s32 s1, s3;
	[dreg:$0x0] =	wrdreg $0x0  }
0xab: {  	s3 =	sshll.u32 s25, $0x1;
	[dreg:$0x2] =	wrdreg s1  }
0xac: {  	[dreg:$0x3] =	wrdreg s3  }
0xad: {  	[dreg:$0x4] =	wrdreg $0xC0  }
0xae: {  	_ =	task [dreg:s5], $0x5FFFF  }
0xaf: {  	[dreg:$0x1] =	wrdreg $0xFFFFFFFF  }
0xb0: {  	[dreg:$0x0] =	wrdreg $0x60  }
0xb1: {  	[dreg:$0x2] =	wrdreg s22  }
0xb2: {  	[dreg:$0x3] =	wrdreg s14  }
0xb3: {  	[dreg:$0x4] =	wrdreg $0x9  }
0xb4: {  	_ =	task.clear_ibuf [dreg:s5], $0x5FFFF;
	_ =	strace $0x90000049  }
0xb5: {  	s26 =	simm.s32 $0x9;
	_ =	strace $0x8000004B  }
0xb6: {  	_ =	swait.ge [sflag:s26], $0x1  }
0xb7: {  	[sflag:s26] =	ssyncadd.s32 $0xFFFFFFFF  }
0xb8: {  	_ =	strace $0x9000004B  }
0xb9: {  	_ =	sfence  }
0xba: {  	s28 =	sld [smem:$0x0];
	_ =	sdelay $0x1  }
0xbb: {  	s29 =	srdreg.scid  }
0xbc: {  	s30 =	sshll.u32 s29, $0xD;
	s31 =	sshrl.u32 s29, $0x2  }
0xbd: {  	s2 =	sand.u32 $0x4000, s30;
	s1 =	sand.u32 $0x1, s29;
	s0 =	sadd.s32 s31, s28  }
0xbe: {  	s1 =	sor.u32 s2, s1;
	s0 =	sshll.u32 s0, $0x11  }
0xbf: {  	s0 =	sor.u32 s0, s1  }
0xc0: {  	s0 =	sadd.s32 $0x8F2B, s0  }
0xc1: {  	[sflag:s0] =	ssyncadd.remote.s32 $0x1  }
0xc2: {  	_ =	sfence.sel $0xFFFF  }
0xc3: {  	[dreg:$0x0] =	wrdreg $0xFFFFFFFF;
	(pc) =	sbr.abs _section_cstart, $3  }
0xc4: {  	[dreg:$0x1] =	wrdreg $0xFFFFFFFF  }
0xc5: {  	_ =	task.clear_ibuf [dreg:s5], $0x2FFFF;
	_ =	strace $0x9FFFFFFF  }
0xc6: {  	(tm) =	ssettm $0x7FFFFFFF  }
0xc7: {  	_ =	shalt  }
tec
execute0_lowered:
.L_overlay_start_1:
0x0: {  	(tag) =	ssettag $0x1  }
0x1: {  	s2 =	rddreg [dreg:$0x0]  }
0x2: {  	s3 =	rddreg [dreg:$0x1];
	s1 =	stileid.u32  }
0x3: {  	s0 =	rddreg [dreg:$0x2];
	s4 =	simm.s32 $0x0;
	s5 =	sshll.u32 s1, $0x7  }
0x4: {  	[smem:$0x7FF] =	sst s4;
	s5 =	sadd.s32 s5, s2  }
0x5: {  	s17 =	simm.s32 $0x2;
	_ =	strace $0x8000004A;
	s5 =	sadd.s32 $0x2600, s5  }
0x6: {  	[tilespmem:s4], [sflag:$0x2] =	stream.linear.gather [hbm4b:s5+s4], $0x400, $0x38;
	[tilespmem:$0x2400] =	vst v63  }
0x7: {  	_ =	swait.ge [sflag:s17], $0x400  }
0x8: {  	[sflag:s17] =	ssyncset.done $0x0  }
0x9: {  	s6 =	simm.s32 $0x80;
	s7 =	simm.s32 $0x400;
	[sflag:s17] =	ssyncadd.s32 $0xFFFFFC00  }
0xa: {  	[tilespmem:s7], [sflag:$0x1] =	stream.indirect.gather [hbm4b:s3+s6], $0x8, s4, s6, $0xb8;
	[tilespmem:$0x2400] =	vst v63  }
0xb: {  	s8 =	simm.s32 $0x800  }
0xc: {  	[tilespmem:s8], [sflag:$0x1] =	stream.indirect.gather [hbm4b:s3+s6], $0x8, s6, s6, $0xb8;
	[tilespmem:$0x2400] =	vst v63  }
0xd: {  	s18 =	simm.s32 $0x100;
	s9 =	simm.s32 $0xC00  }
0xe: {  	[tilespmem:s9], [sflag:$0x1] =	stream.indirect.gather [hbm4b:s3+s6], $0x8, s18, s6, $0xb8;
	[tilespmem:$0x2400] =	vst v63  }
0xf: {  	s19 =	simm.s32 $0x180;
	s20 =	simm.s32 $0x1000  }
0x10: {  	[tilespmem:s20], [sflag:$0x1] =	stream.indirect.gather [hbm4b:s3+s6], $0x8, s19, s6, $0xb8;
	[tilespmem:$0x2400] =	vst v63  }
0x11: {  	s21 =	simm.s32 $0x200;
	s22 =	simm.s32 $0x1400  }
0x12: {  	[tilespmem:s22], [sflag:$0x1] =	stream.indirect.gather [hbm4b:s3+s6], $0x8, s21, s6, $0xb8;
	[tilespmem:$0x2400] =	vst v63  }
0x13: {  	s23 =	simm.s32 $0x280;
	s24 =	simm.s32 $0x1800  }
0x14: {  	[tilespmem:s24], [sflag:$0x1] =	stream.indirect.gather [hbm4b:s3+s6], $0x8, s23, s6, $0xb8;
	[tilespmem:$0x2400] =	vst v63  }
0x15: {  	s25 =	simm.s32 $0x300;
	s26 =	simm.s32 $0x1C00  }
0x16: {  	[tilespmem:s26], [sflag:$0x1] =	stream.indirect.gather [hbm4b:s3+s6], $0x8, s25, s6, $0xb8;
	[tilespmem:$0x2400] =	vst v63  }
0x17: {  	s28 =	simm.s32 $0x380;
	s29 =	simm.s32 $0x2000;
	s30 =	simm.s32 $0x1  }
0x18: {  	[tilespmem:s29], [sflag:$0x1] =	stream.indirect.gather [hbm4b:s3+s6], $0x8, s28, s6, $0xb8;
	[tilespmem:$0x2400] =	vst v63  }
0x19: {  	_ =	swait.ge [sflag:s30], $0x400  }
0x1a: {  	[sflag:s30] =	ssyncset.done $0x0  }
0x1b: {  	[sflag:s30] =	ssyncadd.s32 $0xFFFFFC00  }
0x1c: {  	_ =	swait.ge [sflag:s30], $0x400  }
0x1d: {  	[sflag:s30] =	ssyncset.done $0x0  }
0x1e: {  	[sflag:s30] =	ssyncadd.s32 $0xFFFFFC00  }
0x1f: {  	_ =	swait.ge [sflag:s30], $0x400  }
0x20: {  	[sflag:s30] =	ssyncset.done $0x0  }
0x21: {  	[sflag:s30] =	ssyncadd.s32 $0xFFFFFC00  }
0x22: {  	_ =	swait.ge [sflag:s30], $0x400  }
0x23: {  	[sflag:s30] =	ssyncset.done $0x0  }
0x24: {  	[sflag:s30] =	ssyncadd.s32 $0xFFFFFC00  }
0x25: {  	_ =	swait.ge [sflag:s30], $0x400  }
0x26: {  	[sflag:s30] =	ssyncset.done $0x0  }
0x27: {  	[sflag:s30] =	ssyncadd.s32 $0xFFFFFC00  }
0x28: {  	_ =	swait.ge [sflag:s30], $0x400  }
0x29: {  	[sflag:s30] =	ssyncset.done $0x0  }
0x2a: {  	[sflag:s30] =	ssyncadd.s32 $0xFFFFFC00  }
0x2b: {  	_ =	swait.ge [sflag:s30], $0x400  }
0x2c: {  	[sflag:s30] =	ssyncset.done $0x0  }
0x2d: {  	[sflag:s30] =	ssyncadd.s32 $0xFFFFFC00  }
0x2e: {  	s31 =	sshll.u32 s1, $0xA;
	_ =	swait.ge [sflag:s30], $0x400  }
0x2f: {  	s2 =	sadd.s32 s31, s2;
	[sflag:s30] =	ssyncset.done $0x0  }
0x30: {  	s2 =	sadd.s32 $0x2E00, s2;
	[sflag:s30] =	ssyncadd.s32 $0xFFFFFC00  }
0x31: {  	[hbm4b:s2+s4] =	stream.linear.scatter [tilespmem:s7], [sflag:$0x2], $0x2000, $0x38;
	[tilespmem:$0x2400] =	vst v63  }
0x32: {  	_ =	swait.ge [sflag:s17], $0x2000  }
0x33: {  	[sflag:s17] =	ssyncset.done $0x0  }
0x34: {  	[sflag:s17] =	ssyncadd.s32 $0xFFFFE000  }
0x35: {  	_ =	sfence.sel $0x180000  }
0x36: {  	[bflag:$0x0] =	sbarrier.arrive $0xFFFF  }
0x37: {  	p0 =	sne.s32 s1, $0x0;
	_ =	strace $0x9000004A  }
0x38: {  	s0 =	sadd.s32 @!p0 $0x100000, s0;
	[bflag:$0x2] =	sbarrier.arrive $0xFFFF  }
0x39: {  	[sflag:s0] =	ssyncadd.tile.s32 @!p0 $0x1;
	_ =	shalt  }
.Lfunc_end2:
_tile_overlayer_lowered:
.L_overlay_start_2:
0x3a: {  	(tag) =	ssettag $0x2  }
0x3b: {  	s0 =	rddreg [dreg:$0x0];
	s2 =	stileid.u32  }
0x3c: {  	s1 =	rddreg [dreg:$0x1];
	p0 =	sne.s32 s2, $0x0  }
0x3d: {  	s3 =	rddreg [dreg:$0x2];
	[bflag:$0x3] =	sbarrier.arrive $0xFFFF;
	s2 =	simm.s32 @!p0 $0x1C02  }
0x3e: {  	[timem:s3], [sflag:s2] =	dma.local @!p0 [hbm:s0], s1  }
0x3f: {  	s0 =	simm.s32 @!p0 $0x2  }
0x40: {  	_ =	swait.ge @!p0 [sflag:s0], s1  }
0x41: {  	s1 =	ssub.s32 @!p0 $0x0, s1;
	[sflag:s0] =	ssyncset.done @!p0 $0x0  }
0x42: {  	[sflag:s0] =	ssyncadd.s32 @!p0 s1  }
0x43: {  	[bflag:$0x3] =	sbarrier.arrive $0xFFFF  }
0x44: {  	_ =	shalt  }

</sc_bundles>
